<compile_context>
chip_gen: v7x
topology: tpu7x:2x2x1
jax: 0.10.2.dev20260603
libtpu: 0.0.44.dev20260713+nightly
codegen_flags: <defaults>
</compile_context>

<pallas_src>
import functools

import jax
import jax.numpy as jnp
from jax import lax
from jax.experimental import pallas as pl
from jax.experimental.pallas import tpu as pltpu
from jax.experimental.pallas import tpu_sc as plsc

_N = 10000
_NPAD = 10240
_D = 128
_NG = 64
_E = 320000
_NT = 400
_NC = 2
_NS = 16
_CHUNK = 128
_CH = 80
_EPAD = _NC * _NS * _CH * _CHUNK
_R = 1024
_NB = _NPAD // _R
_ROWS_PER_SUB = _NPAD // _NS
_PREC = lax.Precision.HIGHEST


def _sc_scatter_add(u, src3, dst3, zrows):
    mesh = plsc.VectorSubcoreMesh(core_axis_name="c", subcore_axis_name="s")

    @functools.partial(
        pl.kernel,
        mesh=mesh,
        out_type=jax.ShapeDtypeStruct((_NC, _NPAD, _D), jnp.float32),
        scratch_types=[
            pltpu.VMEM_SHARED((_NPAD, _D), jnp.float32),
            pltpu.VMEM((_CH, _CHUNK), jnp.int32),
            pltpu.VMEM((2, _CHUNK), jnp.int32),
            pltpu.VMEM((_CHUNK, _D), jnp.float32),
            pltpu.VMEM((_CHUNK, _D), jnp.float32),
            pltpu.SemaphoreType.DMA,
            pltpu.SemaphoreType.DMA,
            pltpu.SemaphoreType.DMA,
            pltpu.SemaphoreType.DMA,
        ],
    )
    def k(u_hbm, src_hbm, dst_hbm, z_hbm, out_hbm, agg_sh, sidx, didx,
          r0, r1, semA, semB, semDA, semDB):
        c = lax.axis_index("c")
        s = lax.axis_index("s")
        base = s * _ROWS_PER_SUB

        def fire(buf, p, semR, semD, kk):
            pltpu.async_copy(u_hbm.at[sidx.at[kk]], buf, semR)
            pltpu.async_copy(dst_hbm.at[c, s, kk], didx.at[p], semD)

        def drain_scatter(buf, p, semR, semD, kk):
            pltpu.make_async_copy(u_hbm.at[sidx.at[kk]], buf, semR).wait()
            pltpu.make_async_copy(dst_hbm.at[c, s, kk], didx.at[p], semD).wait()
            pltpu.sync_copy(buf, agg_sh.at[didx.at[p]], add=True)

        pltpu.sync_copy(src_hbm.at[c, s], sidx)
        fire(r0, 0, semA, semDA, 0)
        pltpu.sync_copy(z_hbm, agg_sh.at[pl.ds(base, _ROWS_PER_SUB)])
        plsc.subcore_barrier()

        @pl.loop(0, _CH // 2)
        def _(j):
            k0 = 2 * j
            k1 = 2 * j + 1
            fire(r1, 1, semB, semDB, k1)
            drain_scatter(r0, 0, semA, semDA, k0)

            @pl.when(k1 + 1 < _CH)
            def _():
                fire(r0, 0, semA, semDA, k1 + 1)

            drain_scatter(r1, 1, semB, semDB, k1)

        plsc.subcore_barrier()
        pltpu.sync_copy(agg_sh.at[pl.ds(base, _ROWS_PER_SUB)],
                        out_hbm.at[c, pl.ds(base, _ROWS_PER_SUB)])

    return k(u, src3, dst3, zrows)


def _rowmask(i, v):
    rid = i * _R + lax.broadcasted_iota(jnp.int32, (_R, 1), 0)
    return jnp.where(rid < _N, v, 0.0)


def _dot(a, b):
    return jnp.dot(a, b, precision=_PREC, preferred_element_type=jnp.float32)


def _proj_body(x_ref, emb_ref, w1a_ref, w1b_ref, u_ref):
    i = pl.program_id(0)
    x = x_ref[...]
    table2 = _dot(emb_ref[...], w1b_ref[...])
    types = x[:, 0:1].astype(jnp.int32)
    iota = lax.broadcasted_iota(jnp.int32, (_R, _NT), 1)
    onehot = (types == iota).astype(jnp.float32)
    u = _dot(x, w1a_ref[...]) + _dot(onehot, table2)
    u_ref[...] = _rowmask(i, u)


def _ln(t, g, b):
    mu = jnp.mean(t, axis=-1, keepdims=True)
    var = jnp.mean((t - mu) ** 2, axis=-1, keepdims=True)
    return (t - mu) / jnp.sqrt(var + 1e-5) * g + b


def _conv_body(u_ref, a_ref, b1_ref, w2_ref, b2_ref, g_ref, bb_ref, w1n_ref,
               o_ref):
    i = pl.program_id(0)
    z = jnp.maximum(u_ref[...] + a_ref[0] + a_ref[1] + b1_ref[...], 0.0)
    t = _dot(z, w2_ref[...]) + b2_ref[...]
    h = jnp.maximum(_ln(t, g_ref[...], bb_ref[...]), 0.0)
    o_ref[...] = _rowmask(i, _dot(h, w1n_ref[...]))


def _conv_gate_body(u_ref, a_ref, batch_ref, b1_ref, w2_ref, b2_ref, g_ref, bb_ref,
                    gw1_ref, gb1_ref, gw2_ref, gb2_ref,
                    h_out_ref, gate_out_ref, gmax_out_ref, gmax_acc):
    i = pl.program_id(0)
    nb = pl.num_programs(0)
    z = jnp.maximum(u_ref[...] + a_ref[0] + a_ref[1] + b1_ref[...], 0.0)
    t = _dot(z, w2_ref[...]) + b2_ref[...]
    h = jnp.maximum(_ln(t, g_ref[...], bb_ref[...]), 0.0)
    h = _rowmask(i, h)
    h_out_ref[...] = h
    g1 = jnp.maximum(_dot(h, gw1_ref[...]) + gb1_ref[...], 0.0)
    gate = _rowmask(i, _dot(g1, gw2_ref[...]) + gb2_ref[...])
    gate_out_ref[...] = gate
    m = batch_ref[...] == lax.broadcasted_iota(jnp.int32, (_R, _NG), 1)
    smax = jnp.max(jnp.where(m, gate, -1e30), axis=0, keepdims=True)

    @pl.when(i == 0)
    def _():
        gmax_acc[...] = jnp.full((8, _NG), -1e30, jnp.float32)

    gmax_acc[...] = jnp.maximum(gmax_acc[...], jnp.broadcast_to(smax, (8, _NG)))

    @pl.when(i == nb - 1)
    def _():
        gmax_out_ref[...] = gmax_acc[...]


def _pool_body(h_ref, gate_ref, gmax_ref, batch_ref, cw1_ref, cb1_ref, cw2_ref,
               cb2_ref, out_ref, num_acc, den_acc):
    i = pl.program_id(0)
    nb = pl.num_programs(0)

    @pl.when(i == 0)
    def _():
        num_acc[...] = jnp.zeros_like(num_acc)
        den_acc[...] = jnp.zeros_like(den_acc)

    m = (batch_ref[...] == lax.broadcasted_iota(jnp.int32, (_R, _NG), 1)
         ).astype(jnp.float32)
    gmax_i = jnp.sum(m * gmax_ref[0:1, :], axis=1, keepdims=True)
    alpha = jnp.exp(gate_ref[...] - gmax_i)
    wh = alpha * h_ref[...]
    cdims = (((0,), (0,)), ((), ()))
    num_acc[...] += lax.dot_general(m, wh, cdims, precision=_PREC,
                                    preferred_element_type=jnp.float32)
    den_acc[...] += lax.dot_general(m, alpha, cdims, precision=_PREC,
                                    preferred_element_type=jnp.float32)

    @pl.when(i == nb - 1)
    def _():
        pooled = num_acc[...] / (den_acc[...] + 1e-16)
        p1 = jnp.maximum(_dot(pooled, cw1_ref[...]) + cb1_ref[...], 0.0)
        out_ref[...] = _dot(p1, cw2_ref[...]) + cb2_ref[...]


def _row_spec(shape):
    nd = len(shape)
    return pl.BlockSpec(shape, lambda i: (i,) + (0,) * (nd - 1))


def _full_spec(shape):
    nd = len(shape)
    return pl.BlockSpec(shape, lambda i: (0,) * nd)


def kernel(x, edge_index, batch, emb, conv0_W1, conv0_b1, conv0_W2, conv0_b2,
           conv1_W1, conv1_b1, conv1_W2, conv1_b2, ln0_g, ln0_b, ln1_g, ln1_b,
           gate_W1, gate_b1, gate_W2, gate_b2, cls_W1, cls_b1, cls_W2, cls_b2):
    f32 = jnp.float32
    xp = jnp.pad(x, ((0, _NPAD - _N), (0, 0)))
    batch_p = jnp.pad(batch, (0, _NPAD - _N), constant_values=_NG).reshape(_NPAD, 1)
    pad_idx = _N + (jnp.arange(_EPAD - _E, dtype=jnp.int32) % (_NPAD - _N))
    src3 = jnp.concatenate([edge_index[0], pad_idx]).reshape(_NC, _NS, _CH, _CHUNK)
    dst3 = jnp.concatenate([edge_index[1], pad_idx]).reshape(_NC, _NS, _CH, _CHUNK)
    zrows = jnp.zeros((_ROWS_PER_SUB, _D), f32)
    w1a = jnp.pad(conv0_W1[:_D - 1], ((1, 0), (0, 0)))
    w1b = conv0_W1[_D - 1:]
    r2 = lambda v: v.reshape(1, -1)

    u0 = pl.pallas_call(
        _proj_body,
        grid=(_NB,),
        in_specs=[_row_spec((_R, _D)), _full_spec((_NT, 16)),
                  _full_spec((_D, _D)), _full_spec((16, _D))],
        out_specs=_row_spec((_R, _D)),
        out_shape=jax.ShapeDtypeStruct((_NPAD, _D), f32),
    )(xp, emb, w1a, w1b)

    agg0 = _sc_scatter_add(u0, src3, dst3, zrows)

    u1 = pl.pallas_call(
        _conv_body,
        grid=(_NB,),
        in_specs=[_row_spec((_R, _D)),
                  pl.BlockSpec((_NC, _R, _D), lambda i: (0, i, 0)),
                  _full_spec((1, _D)), _full_spec((_D, _D)), _full_spec((1, _D)),
                  _full_spec((1, _D)), _full_spec((1, _D)), _full_spec((_D, _D))],
        out_specs=_row_spec((_R, _D)),
        out_shape=jax.ShapeDtypeStruct((_NPAD, _D), f32),
    )(u0, agg0, r2(conv0_b1), conv0_W2, r2(conv0_b2), r2(ln0_g), r2(ln0_b),
      conv1_W1)

    agg1 = _sc_scatter_add(u1, src3, dst3, zrows)

    h2, gate, gmax = pl.pallas_call(
        _conv_gate_body,
        grid=(_NB,),
        in_specs=[_row_spec((_R, _D)),
                  pl.BlockSpec((_NC, _R, _D), lambda i: (0, i, 0)),
                  _row_spec((_R, 1)),
                  _full_spec((1, _D)), _full_spec((_D, _D)), _full_spec((1, _D)),
                  _full_spec((1, _D)), _full_spec((1, _D)),
                  _full_spec((_D, _D)), _full_spec((1, _D)),
                  _full_spec((_D, 1)), _full_spec((1, 1))],
        out_specs=[_row_spec((_R, _D)), _row_spec((_R, 1)), _full_spec((8, _NG))],
        out_shape=[jax.ShapeDtypeStruct((_NPAD, _D), f32),
                   jax.ShapeDtypeStruct((_NPAD, 1), f32),
                   jax.ShapeDtypeStruct((8, _NG), f32)],
        scratch_shapes=[pltpu.VMEM((8, _NG), f32)],
    )(u1, agg1, batch_p, r2(conv1_b1), conv1_W2, r2(conv1_b2), r2(ln1_g),
      r2(ln1_b), gate_W1, r2(gate_b1), gate_W2, gate_b2.reshape(1, 1))

    out = pl.pallas_call(
        _pool_body,
        grid=(_NB,),
        in_specs=[_row_spec((_R, _D)), _row_spec((_R, 1)), _full_spec((8, _NG)),
                  _row_spec((_R, 1)),
                  _full_spec((_D, _D)), _full_spec((1, _D)),
                  _full_spec((_D, 2)), _full_spec((1, 2))],
        out_specs=_full_spec((_NG, 2)),
        out_shape=jax.ShapeDtypeStruct((_NG, 2), f32),
        scratch_shapes=[pltpu.VMEM((_NG, _D), f32), pltpu.VMEM((_NG, 1), f32)],
    )(h2, gate, gmax, batch_p, cls_W1, r2(cls_b1), cls_W2, cls_b2.reshape(1, 2))

    return out

# --- scband reference (transcript-rebuilt; emitter-appended) ---
"""Pipeline reference for scband-dynamic-gin-embedding-26869315404010 (READ-ONLY COPY).

The authoritative reference and input builder live on the scoring server;
editing this copy changes nothing except your own understanding.
"""

import jax, jax.numpy as jnp
import numpy as np

N = 10000
E = 320000
DF = 128
ED = 16
H = 128
PH = 128
NG = 64
TOTAL_IN = DF - 1 + ED


def setup_inputs(seed: int = 0):
    key = jax.random.key(seed)
    ks = jax.random.split(key, 24)
    inp = {}
    inp["x"] = jax.random.uniform(ks[0], (N, DF), dtype=jnp.float32)
    inp["edge_index"] = jax.random.randint(ks[1], (2, E), 0, N, dtype=jnp.int32)
    inp["batch"] = jnp.sort(jax.random.randint(ks[2], (N,), 0, NG, dtype=jnp.int32))
    inp["emb"] = jax.random.normal(ks[3], (400, ED), dtype=jnp.float32) * 0.05
    inp["conv0_W1"] = jax.random.normal(ks[4], (TOTAL_IN, H), dtype=jnp.float32) * 0.05
    inp["conv0_b1"] = jnp.zeros((H,), jnp.float32)
    inp["conv0_W2"] = jax.random.normal(ks[5], (H, H), dtype=jnp.float32) * 0.05
    inp["conv0_b2"] = jnp.zeros((H,), jnp.float32)
    inp["conv1_W1"] = jax.random.normal(ks[6], (H, H), dtype=jnp.float32) * 0.05
    inp["conv1_b1"] = jnp.zeros((H,), jnp.float32)
    inp["conv1_W2"] = jax.random.normal(ks[7], (H, H), dtype=jnp.float32) * 0.05
    inp["conv1_b2"] = jnp.zeros((H,), jnp.float32)
    inp["ln0_g"] = jnp.ones((H,), jnp.float32)
    inp["ln0_b"] = jnp.zeros((H,), jnp.float32)
    inp["ln1_g"] = jnp.ones((H,), jnp.float32)
    inp["ln1_b"] = jnp.zeros((H,), jnp.float32)
    inp["gate_W1"] = jax.random.normal(ks[8], (H, PH), dtype=jnp.float32) * 0.05
    inp["gate_b1"] = jnp.zeros((PH,), jnp.float32)
    inp["gate_W2"] = jax.random.normal(ks[9], (PH, 1), dtype=jnp.float32) * 0.05
    inp["gate_b2"] = jnp.zeros((1,), jnp.float32)
    inp["cls_W1"] = jax.random.normal(ks[10], (H, PH), dtype=jnp.float32) * 0.05
    inp["cls_b1"] = jnp.zeros((PH,), jnp.float32)
    inp["cls_W2"] = jax.random.normal(ks[11], (PH, 2), dtype=jnp.float32) * 0.05
    inp["cls_b2"] = jnp.zeros((2,), jnp.float32)
    return inp


def _layer_norm(h, g, b, eps=1e-5):
    mu = jnp.mean(h, axis=-1, keepdims=True)
    var = jnp.mean((h - mu) ** 2, axis=-1, keepdims=True)
    return (h - mu) / jnp.sqrt(var + eps) * g + b


def _gin_conv(h, src, dst, W1, b1, W2, b2):
    # GINConv with eps=0: mlp(x + sum_{j->i} x_j); scatter-add of gathered src feats
    agg = jnp.zeros(h.shape, h.dtype).at[dst].add(h[src])
    z = h + agg
    z = jnp.maximum(z @ W1 + b1, 0.0)
    return z @ W2 + b2


def reference(x, edge_index, batch, emb, conv0_W1, conv0_b1, conv0_W2, conv0_b2,
              conv1_W1, conv1_b1, conv1_W2, conv1_b2, ln0_g, ln0_b, ln1_g, ln1_b,
              gate_W1, gate_b1, gate_W2, gate_b2, cls_W1, cls_b1, cls_W2, cls_b2):
    node_types = jax.lax.stop_gradient(x[:, 0]).astype(jnp.int32)
    h = jnp.concatenate([x[:, 1:], jnp.take(emb, node_types, axis=0)], axis=1)
    src = edge_index[0]
    dst = edge_index[1]
    h = _gin_conv(h, src, dst, conv0_W1, conv0_b1, conv0_W2, conv0_b2)
    h = _layer_norm(h, ln0_g, ln0_b)
    h = jnp.maximum(h, 0.0)
    # dropout is identity in eval mode
    h = _gin_conv(h, src, dst, conv1_W1, conv1_b1, conv1_W2, conv1_b2)
    h = _layer_norm(h, ln1_g, ln1_b)
    h = jnp.maximum(h, 0.0)
    # AttentionalAggregation: segment softmax over gate scores, weighted segment sum
    gate = jnp.maximum(h @ gate_W1 + gate_b1, 0.0) @ gate_W2 + gate_b2
    gmax = jax.ops.segment_max(gate, batch, num_segments=NG)
    alpha = jnp.exp(gate - gmax[batch])
    denom = jax.ops.segment_sum(alpha, batch, num_segments=NG)
    alpha = alpha / (denom[batch] + 1e-16)
    pooled = jax.ops.segment_sum(alpha * h, batch, num_segments=NG)
    out = jnp.maximum(pooled @ cls_W1 + cls_b1, 0.0) @ cls_W2 + cls_b2
    return out

if __name__ == "__main__":
    import jax
    _d = setup_inputs()
    print(jax.jit(kernel)(*tuple(_d.values())))

</pallas_src>

<mosaic_0001>
#map = affine_map<(d0, d1) -> (0, 0)>
#map1 = affine_map<(d0, d1) -> (0, 0, 0, 0)>
#map2 = affine_map<(d0, d1) -> (0, 0, 0)>
module attributes {stable_mosaic.version = 14 : i64} {
  func.func @k(%arg0: i32, %arg1: i32, %arg2: memref<10240x128xf32, #tpu.memory_space<hbm>>, %arg3: memref<2x16x80x128xi32, #tpu.memory_space<hbm>>, %arg4: memref<2x16x80x128xi32, #tpu.memory_space<hbm>>, %arg5: memref<640x128xf32, #tpu.memory_space<hbm>>, %arg6: memref<2x10240x128xf32, #tpu.memory_space<hbm>>, %arg7: memref<10240x128xf32, #tpu.memory_space<vmem_shared>>, %arg8: memref<80x128xi32, #tpu.memory_space<vmem>>, %arg9: memref<2x128xi32, #tpu.memory_space<vmem>>, %arg10: memref<128x128xf32, #tpu.memory_space<vmem>>, %arg11: memref<128x128xf32, #tpu.memory_space<vmem>>, %arg12: memref<!tpu.dma_semaphore, #tpu.memory_space<semaphore_mem>>, %arg13: memref<!tpu.dma_semaphore, #tpu.memory_space<semaphore_mem>>, %arg14: memref<!tpu.dma_semaphore, #tpu.memory_space<semaphore_mem>>, %arg15: memref<!tpu.dma_semaphore, #tpu.memory_space<semaphore_mem>>) attributes {dimension_semantics = [#tpu.dimension_semantics<core_parallel>, #tpu.dimension_semantics<subcore_parallel>], iteration_bounds = array<i64: 2, 16>, scalar_prefetch = 0 : i64, scratch_operands = 9 : i64, tpu.core_type = #tpu.core_type<sc_vector_subcore>, window_params = [{transform_indices = #map}, {transform_indices = #map1}, {transform_indices = #map1}, {transform_indices = #map}, {transform_indices = #map2}]} {
    %mul3A = arith.constant 640 : i32
    %mul3A_0 = arith.muli %arg1, %mul3A : i32
    "tpu.region"() ({
      %run_scoped3A = tpu.sem_alloc : memref<!tpu.dma_semaphore, #tpu.memory_space<semaphore_mem>>
      %dma_start3A_26 = arith.constant 0 : i32
      %dma_start3A_27 = arith.constant 0 : i32
      %dma_start3A_28 = tpu.memref_slice %arg3[%arg0, %arg1, %dma_start3A_26, %dma_start3A_27] : memref<2x16x80x128xi32, #tpu.memory_space<hbm>> -> memref<1x1x80x128xi32, #tpu.memory_space<hbm>>
      %dma_start3A_29 = tpu.memref_squeeze %dma_start3A_28 : memref<1x1x80x128xi32, #tpu.memory_space<hbm>> -> memref<80x128xi32, #tpu.memory_space<hbm>>
      %dma_start3A_30 = arith.constant 0 : i32
      %dma_start3A_31 = arith.constant 0 : i32
      %dma_start3A_32 = tpu.memref_slice %arg3[%arg0, %arg1, %dma_start3A_30, %dma_start3A_31] : memref<2x16x80x128xi32, #tpu.memory_space<hbm>> -> memref<1x1x80x128xi32, #tpu.memory_space<hbm>>
      %dma_start3A_33 = tpu.memref_squeeze %dma_start3A_32 : memref<1x1x80x128xi32, #tpu.memory_space<hbm>> -> memref<80x128xi32, #tpu.memory_space<hbm>>
      tpu.enqueue_dma source(%dma_start3A_33 : memref<80x128xi32, #tpu.memory_space<hbm>>) target(%arg8 : memref<80x128xi32, #tpu.memory_space<vmem>>) target_semaphore(%run_scoped3A : memref<!tpu.dma_semaphore, #tpu.memory_space<semaphore_mem>>)
      %dma_wait3A = arith.constant 0 : i32
      %dma_wait3A_34 = arith.constant 0 : i32
      %dma_wait3A_35 = tpu.memref_slice %arg3[%arg0, %arg1, %dma_wait3A, %dma_wait3A_34] : memref<2x16x80x128xi32, #tpu.memory_space<hbm>> -> memref<1x1x80x128xi32, #tpu.memory_space<hbm>>
      %dma_wait3A_36 = tpu.memref_squeeze %dma_wait3A_35 : memref<1x1x80x128xi32, #tpu.memory_space<hbm>> -> memref<80x128xi32, #tpu.memory_space<hbm>>
      %dma_wait3A_37 = arith.constant 0 : i32
      %dma_wait3A_38 = arith.constant 0 : i32
      %dma_wait3A_39 = tpu.memref_slice %arg3[%arg0, %arg1, %dma_wait3A_37, %dma_wait3A_38] : memref<2x16x80x128xi32, #tpu.memory_space<hbm>> -> memref<1x1x80x128xi32, #tpu.memory_space<hbm>>
      %dma_wait3A_40 = tpu.memref_squeeze %dma_wait3A_39 : memref<1x1x80x128xi32, #tpu.memory_space<hbm>> -> memref<80x128xi32, #tpu.memory_space<hbm>>
      tpu.wait_dma2 semaphore(%run_scoped3A : memref<!tpu.dma_semaphore, #tpu.memory_space<semaphore_mem>>) src(%dma_wait3A_40 : memref<80x128xi32, #tpu.memory_space<hbm>>) dst(%arg8 : memref<80x128xi32, #tpu.memory_space<vmem>>)
      tpu.yield
    }) : () -> ()
    %dma_start3A = arith.constant 0 : i32
    %dma_start3A_1 = arith.constant 0 : i32
    %dma_start3A_2 = tpu.memref_slice %arg8[%dma_start3A, %dma_start3A_1] : memref<80x128xi32, #tpu.memory_space<vmem>> -> memref<1x128xi32, #tpu.memory_space<vmem>>
    %dma_start3A_3 = tpu.memref_squeeze %dma_start3A_2 : memref<1x128xi32, #tpu.memory_space<vmem>> -> memref<128xi32, #tpu.memory_space<vmem>>
    %dma_start3A_4 = arith.constant 0 : i32
    %dma_start3A_5 = arith.constant 0 : i32
    %dma_start3A_6 = tpu.memref_slice %arg2[%dma_start3A_4, %dma_start3A_5] : memref<10240x128xf32, #tpu.memory_space<hbm>> -> memref<10240x128xf32, #tpu.memory_space<hbm>>
    tpu.enqueue_indirect_dma source(%dma_start3A_6 : memref<10240x128xf32, #tpu.memory_space<hbm>>) target(%arg10 : memref<128x128xf32, #tpu.memory_space<vmem>>) offsets(%dma_start3A_3 : memref<128xi32, #tpu.memory_space<vmem>>) semaphore(%arg12 : memref<!tpu.dma_semaphore, #tpu.memory_space<semaphore_mem>>)
    %dma_start3A_7 = arith.constant 0 : i32
    %dma_start3A_8 = arith.constant 0 : i32
    %dma_start3A_9 = arith.constant 0 : i32
    %dma_start3A_10 = tpu.memref_slice %arg9[%dma_start3A_8, %dma_start3A_9] : memref<2x128xi32, #tpu.memory_space<vmem>> -> memref<1x128xi32, #tpu.memory_space<vmem>>
    %dma_start3A_11 = tpu.memref_squeeze %dma_start3A_10 : memref<1x128xi32, #tpu.memory_space<vmem>> -> memref<128xi32, #tpu.memory_space<vmem>>
    %dma_start3A_12 = arith.constant 0 : i32
    %dma_start3A_13 = tpu.memref_slice %arg4[%arg0, %arg1, %dma_start3A_7, %dma_start3A_12] : memref<2x16x80x128xi32, #tpu.memory_space<hbm>> -> memref<1x1x1x128xi32, #tpu.memory_space<hbm>>
    %dma_start3A_14 = tpu.memref_squeeze %dma_start3A_13 : memref<1x1x1x128xi32, #tpu.memory_space<hbm>> -> memref<128xi32, #tpu.memory_space<hbm>>
    %dma_start3A_15 = arith.constant 0 : i32
    %dma_start3A_16 = tpu.memref_slice %arg9[%dma_start3A_8, %dma_start3A_15] : memref<2x128xi32, #tpu.memory_space<vmem>> -> memref<1x128xi32, #tpu.memory_space<vmem>>
    %dma_start3A_17 = tpu.memref_squeeze %dma_start3A_16 : memref<1x128xi32, #tpu.memory_space<vmem>> -> memref<128xi32, #tpu.memory_space<vmem>>
    %dma_start3A_18 = arith.constant 0 : i32
    %dma_start3A_19 = tpu.memref_slice %arg4[%arg0, %arg1, %dma_start3A_7, %dma_start3A_18] : memref<2x16x80x128xi32, #tpu.memory_space<hbm>> -> memref<1x1x1x128xi32, #tpu.memory_space<hbm>>
    %dma_start3A_20 = tpu.memref_squeeze %dma_start3A_19 : memref<1x1x1x128xi32, #tpu.memory_space<hbm>> -> memref<128xi32, #tpu.memory_space<hbm>>
    tpu.enqueue_dma source(%dma_start3A_20 : memref<128xi32, #tpu.memory_space<hbm>>) target(%dma_start3A_17 : memref<128xi32, #tpu.memory_space<vmem>>) target_semaphore(%arg14 : memref<!tpu.dma_semaphore, #tpu.memory_space<semaphore_mem>>)
    "tpu.region"() ({
      %run_scoped3A = tpu.sem_alloc : memref<!tpu.dma_semaphore, #tpu.memory_space<semaphore_mem>>
      %dma_start3A_26 = arith.constant 0 : i32
      %dma_start3A_27 = tpu.memref_slice %arg7[%mul3A_0, %dma_start3A_26] : memref<10240x128xf32, #tpu.memory_space<vmem_shared>> -> memref<640x128xf32, #tpu.memory_space<vmem_shared>>
      tpu.enqueue_dma source(%arg5 : memref<640x128xf32, #tpu.memory_space<hbm>>) target(%dma_start3A_27 : memref<640x128xf32, #tpu.memory_space<vmem_shared>>) target_semaphore(%run_scoped3A : memref<!tpu.dma_semaphore, #tpu.memory_space<semaphore_mem>>)
      %dma_wait3A = arith.constant 0 : i32
      %dma_wait3A_28 = tpu.memref_slice %arg7[%mul3A_0, %dma_wait3A] : memref<10240x128xf32, #tpu.memory_space<vmem_shared>> -> memref<640x128xf32, #tpu.memory_space<vmem_shared>>
      tpu.wait_dma2 semaphore(%run_scoped3A : memref<!tpu.dma_semaphore, #tpu.memory_space<semaphore_mem>>) src(%arg5 : memref<640x128xf32, #tpu.memory_space<hbm>>) dst(%dma_wait3A_28 : memref<640x128xf32, #tpu.memory_space<vmem_shared>>)
      tpu.yield
    }) : () -> ()
    %barrier3A = arith.constant 0 : index
    tpu.barrier barrier_id(%barrier3A)
    %scan3A = arith.constant 0 : i32
    %scan3A_21 = arith.constant 40 : i32
    %scan3A_22 = arith.addi %scan3A, %scan3A_21 : i32
    %scan3A_23 = arith.constant 1 : i32
    scf.for %scan3A_26 = %scan3A to %scan3A_22 step %scan3A_23  : i32 {
      %mul3A_27 = arith.constant 1 : i32
      %mul3A_28 = arith.muli %scan3A_26, %mul3A_27 : i32
      %add3A = arith.constant 0 : i32
      %add3A_29 = arith.addi %add3A, %mul3A_28 : i32
      %mul3A_30 = arith.constant 2 : i32
      %mul3A_31 = arith.muli %mul3A_30, %add3A_29 : i32
      %mul3A_32 = arith.constant 2 : i32
      %mul3A_33 = arith.muli %mul3A_32, %add3A_29 : i32
      %add3A_34 = arith.constant 1 : i32
      %add3A_35 = arith.addi %mul3A_33, %add3A_34 : i32
      %dma_start3A_36 = arith.constant 0 : i32
      %dma_start3A_37 = tpu.memref_slice %arg8[%add3A_35, %dma_start3A_36] : memref<80x128xi32, #tpu.memory_space<vmem>> -> memref<1x128xi32, #tpu.memory_space<vmem>>
      %dma_start3A_38 = tpu.memref_squeeze %dma_start3A_37 : memref<1x128xi32, #tpu.memory_space<vmem>> -> memref<128xi32, #tpu.memory_space<vmem>>
      %dma_start3A_39 = arith.constant 0 : i32
      %dma_start3A_40 = arith.constant 0 : i32
      %dma_start3A_41 = tpu.memref_slice %arg2[%dma_start3A_39, %dma_start3A_40] : memref<10240x128xf32, #tpu.memory_space<hbm>> -> memref<10240x128xf32, #tpu.memory_space<hbm>>
      tpu.enqueue_indirect_dma source(%dma_start3A_41 : memref<10240x128xf32, #tpu.memory_space<hbm>>) target(%arg11 : memref<128x128xf32, #tpu.memory_space<vmem>>) offsets(%dma_start3A_38 : memref<128xi32, #tpu.memory_space<vmem>>) semaphore(%arg13 : memref<!tpu.dma_semaphore, #tpu.memory_space<semaphore_mem>>)
      %dma_start3A_42 = arith.constant 1 : i32
      %dma_start3A_43 = arith.constant 0 : i32
      %dma_start3A_44 = tpu.memref_slice %arg9[%dma_start3A_42, %dma_start3A_43] : memref<2x128xi32, #tpu.memory_space<vmem>> -> memref<1x128xi32, #tpu.memory_space<vmem>>
      %dma_start3A_45 = tpu.memref_squeeze %dma_start3A_44 : memref<1x128xi32, #tpu.memory_space<vmem>> -> memref<128xi32, #tpu.memory_space<vmem>>
      %dma_start3A_46 = arith.constant 0 : i32
      %dma_start3A_47 = tpu.memref_slice %arg4[%arg0, %arg1, %add3A_35, %dma_start3A_46] : memref<2x16x80x128xi32, #tpu.memory_space<hbm>> -> memref<1x1x1x128xi32, #tpu.memory_space<hbm>>
      %dma_start3A_48 = tpu.memref_squeeze %dma_start3A_47 : memref<1x1x1x128xi32, #tpu.memory_space<hbm>> -> memref<128xi32, #tpu.memory_space<hbm>>
      %dma_start3A_49 = arith.constant 0 : i32
      %dma_start3A_50 = tpu.memref_slice %arg9[%dma_start3A_42, %dma_start3A_49] : memref<2x128xi32, #tpu.memory_space<vmem>> -> memref<1x128xi32, #tpu.memory_space<vmem>>
      %dma_start3A_51 = tpu.memref_squeeze %dma_start3A_50 : memref<1x128xi32, #tpu.memory_space<vmem>> -> memref<128xi32, #tpu.memory_space<vmem>>
      %dma_start3A_52 = arith.constant 0 : i32
      %dma_start3A_53 = tpu.memref_slice %arg4[%arg0, %arg1, %add3A_35, %dma_start3A_52] : memref<2x16x80x128xi32, #tpu.memory_space<hbm>> -> memref<1x1x1x128xi32, #tpu.memory_space<hbm>>
      %dma_start3A_54 = tpu.memref_squeeze %dma_start3A_53 : memref<1x1x1x128xi32, #tpu.memory_space<hbm>> -> memref<128xi32, #tpu.memory_space<hbm>>
      tpu.enqueue_dma source(%dma_start3A_54 : memref<128xi32, #tpu.memory_space<hbm>>) target(%dma_start3A_51 : memref<128xi32, #tpu.memory_space<vmem>>) target_semaphore(%arg15 : memref<!tpu.dma_semaphore, #tpu.memory_space<semaphore_mem>>)
      %dma_wait3A = arith.constant 0 : i32
      %dma_wait3A_55 = tpu.memref_slice %arg8[%mul3A_31, %dma_wait3A] : memref<80x128xi32, #tpu.memory_space<vmem>> -> memref<1x128xi32, #tpu.memory_space<vmem>>
      %dma_wait3A_56 = tpu.memref_squeeze %dma_wait3A_55 : memref<1x128xi32, #tpu.memory_space<vmem>> -> memref<128xi32, #tpu.memory_space<vmem>>
      %dma_wait3A_57 = arith.constant 0 : i32
      %dma_wait3A_58 = arith.constant 0 : i32
      %dma_wait3A_59 = tpu.memref_slice %arg2[%dma_wait3A_57, %dma_wait3A_58] : memref<10240x128xf32, #tpu.memory_space<hbm>> -> memref<10240x128xf32, #tpu.memory_space<hbm>>
      tpu.wait_indirect_dma semaphore(%arg12 : memref<!tpu.dma_semaphore, #tpu.memory_space<semaphore_mem>>) src(%dma_wait3A_59 : memref<10240x128xf32, #tpu.memory_space<hbm>>) dst(%arg10 : memref<128x128xf32, #tpu.memory_space<vmem>>)
      %dma_wait3A_60 = arith.constant 0 : i32
      %dma_wait3A_61 = arith.constant 0 : i32
      %dma_wait3A_62 = tpu.memref_slice %arg9[%dma_wait3A_60, %dma_wait3A_61] : memref<2x128xi32, #tpu.memory_space<vmem>> -> memref<1x128xi32, #tpu.memory_space<vmem>>
      %dma_wait3A_63 = tpu.memref_squeeze %dma_wait3A_62 : memref<1x128xi32, #tpu.memory_space<vmem>> -> memref<128xi32, #tpu.memory_space<vmem>>
      %dma_wait3A_64 = arith.constant 0 : i32
      %dma_wait3A_65 = tpu.memref_slice %arg4[%arg0, %arg1, %mul3A_31, %dma_wait3A_64] : memref<2x16x80x128xi32, #tpu.memory_space<hbm>> -> memref<1x1x1x128xi32, #tpu.memory_space<hbm>>
      %dma_wait3A_66 = tpu.memref_squeeze %dma_wait3A_65 : memref<1x1x1x128xi32, #tpu.memory_space<hbm>> -> memref<128xi32, #tpu.memory_space<hbm>>
      %dma_wait3A_67 = arith.constant 0 : i32
      %dma_wait3A_68 = tpu.memref_slice %arg9[%dma_wait3A_60, %dma_wait3A_67] : memref<2x128xi32, #tpu.memory_space<vmem>> -> memref<1x128xi32, #tpu.memory_space<vmem>>
      %dma_wait3A_69 = tpu.memref_squeeze %dma_wait3A_68 : memref<1x128xi32, #tpu.memory_space<vmem>> -> memref<128xi32, #tpu.memory_space<vmem>>
      %dma_wait3A_70 = arith.constant 0 : i32
      %dma_wait3A_71 = tpu.memref_slice %arg4[%arg0, %arg1, %mul3A_31, %dma_wait3A_70] : memref<2x16x80x128xi32, #tpu.memory_space<hbm>> -> memref<1x1x1x128xi32, #tpu.memory_space<hbm>>
      %dma_wait3A_72 = tpu.memref_squeeze %dma_wait3A_71 : memref<1x1x1x128xi32, #tpu.memory_space<hbm>> -> memref<128xi32, #tpu.memory_space<hbm>>
      tpu.wait_dma2 semaphore(%arg14 : memref<!tpu.dma_semaphore, #tpu.memory_space<semaphore_mem>>) src(%dma_wait3A_72 : memref<128xi32, #tpu.memory_space<hbm>>) dst(%dma_wait3A_69 : memref<128xi32, #tpu.memory_space<vmem>>)
      %run_scoped3A = arith.constant 0 : i32
      "tpu.region"() ({
        %run_scoped3A_97 = tpu.sem_alloc : memref<!tpu.dma_semaphore, #tpu.memory_space<semaphore_mem>>
        %dma_start3A_98 = arith.constant 0 : i32
        %dma_start3A_99 = tpu.memref_slice %arg9[%run_scoped3A, %dma_start3A_98] : memref<2x128xi32, #tpu.memory_space<vmem>> -> memref<1x128xi32, #tpu.memory_space<vmem>>
        %dma_start3A_100 = tpu.memref_squeeze %dma_start3A_99 : memref<1x128xi32, #tpu.memory_space<vmem>> -> memref<128xi32, #tpu.memory_space<vmem>>
        %dma_start3A_101 = arith.constant 0 : i32
        %dma_start3A_102 = arith.constant 0 : i32
        %dma_start3A_103 = tpu.memref_slice %arg7[%dma_start3A_101, %dma_start3A_102] : memref<10240x128xf32, #tpu.memory_space<vmem_shared>> -> memref<10240x128xf32, #tpu.memory_space<vmem_shared>>
        tpu.enqueue_indirect_dma source(%arg10 : memref<128x128xf32, #tpu.memory_space<vmem>>) target(%dma_start3A_103 : memref<10240x128xf32, #tpu.memory_space<vmem_shared>>) offsets(%dma_start3A_100 : memref<128xi32, #tpu.memory_space<vmem>>) semaphore(%run_scoped3A_97 : memref<!tpu.dma_semaphore, #tpu.memory_space<semaphore_mem>>) {add = true}
        %dma_wait3A_104 = arith.constant 0 : i32
        %dma_wait3A_105 = tpu.memref_slice %arg9[%run_scoped3A, %dma_wait3A_104] : memref<2x128xi32, #tpu.memory_space<vmem>> -> memref<1x128xi32, #tpu.memory_space<vmem>>
        %dma_wait3A_106 = tpu.memref_squeeze %dma_wait3A_105 : memref<1x128xi32, #tpu.memory_space<vmem>> -> memref<128xi32, #tpu.memory_space<vmem>>
        %dma_wait3A_107 = arith.constant 0 : i32
        %dma_wait3A_108 = arith.constant 0 : i32
        %dma_wait3A_109 = tpu.memref_slice %arg7[%dma_wait3A_107, %dma_wait3A_108] : memref<10240x128xf32, #tpu.memory_space<vmem_shared>> -> memref<10240x128xf32, #tpu.memory_space<vmem_shared>>
        tpu.wait_indirect_dma semaphore(%run_scoped3A_97 : memref<!tpu.dma_semaphore, #tpu.memory_space<semaphore_mem>>) src(%arg10 : memref<128x128xf32, #tpu.memory_space<vmem>>) dst(%dma_wait3A_109 : memref<10240x128xf32, #tpu.memory_space<vmem_shared>>)
        tpu.yield
      }) : () -> ()
      %add3A_73 = arith.constant 1 : i32
      %add3A_74 = arith.addi %add3A_35, %add3A_73 : i32
      %lt3A = arith.constant 80 : i32
      %lt3A_75 = arith.cmpi slt, %add3A_74, %lt3A : i32
      %convert_element_type3A = arith.extui %lt3A_75 : i1 to i32
      %cond3A = arith.constant 0 : i32
      %cond3A_76 = arith.cmpi ne, %convert_element_type3A, %cond3A : i32
      scf.if %cond3A_76 {
        %add3A_97 = arith.constant 1 : i32
        %add3A_98 = arith.addi %add3A_35, %add3A_97 : i32
        %dma_start3A_99 = arith.constant 0 : i32
        %dma_start3A_100 = tpu.memref_slice %arg8[%add3A_98, %dma_start3A_99] : memref<80x128xi32, #tpu.memory_space<vmem>> -> memref<1x128xi32, #tpu.memory_space<vmem>>
        %dma_start3A_101 = tpu.memref_squeeze %dma_start3A_100 : memref<1x128xi32, #tpu.memory_space<vmem>> -> memref<128xi32, #tpu.memory_space<vmem>>
        %dma_start3A_102 = arith.constant 0 : i32
        %dma_start3A_103 = arith.constant 0 : i32
        %dma_start3A_104 = tpu.memref_slice %arg2[%dma_start3A_102, %dma_start3A_103] : memref<10240x128xf32, #tpu.memory_space<hbm>> -> memref<10240x128xf32, #tpu.memory_space<hbm>>
        tpu.enqueue_indirect_dma source(%dma_start3A_104 : memref<10240x128xf32, #tpu.memory_space<hbm>>) target(%arg10 : memref<128x128xf32, #tpu.memory_space<vmem>>) offsets(%dma_start3A_101 : memref<128xi32, #tpu.memory_space<vmem>>) semaphore(%arg12 : memref<!tpu.dma_semaphore, #tpu.memory_space<semaphore_mem>>)
        %dma_start3A_105 = arith.constant 0 : i32
        %dma_start3A_106 = arith.constant 0 : i32
        %dma_start3A_107 = tpu.memref_slice %arg9[%dma_start3A_105, %dma_start3A_106] : memref<2x128xi32, #tpu.memory_space<vmem>> -> memref<1x128xi32, #tpu.memory_space<vmem>>
        %dma_start3A_108 = tpu.memref_squeeze %dma_start3A_107 : memref<1x128xi32, #tpu.memory_space<vmem>> -> memref<128xi32, #tpu.memory_space<vmem>>
        %dma_start3A_109 = arith.constant 0 : i32
        %dma_start3A_110 = tpu.memref_slice %arg4[%arg0, %arg1, %add3A_98, %dma_start3A_109] : memref<2x16x80x128xi32, #tpu.memory_space<hbm>> -> memref<1x1x1x128xi32, #tpu.memory_space<hbm>>
        %dma_start3A_111 = tpu.memref_squeeze %dma_start3A_110 : memref<1x1x1x128xi32, #tpu.memory_space<hbm>> -> memref<128xi32, #tpu.memory_space<hbm>>
        %dma_start3A_112 = arith.constant 0 : i32
        %dma_start3A_113 = tpu.memref_slice %arg9[%dma_start3A_105, %dma_start3A_112] : memref<2x128xi32, #tpu.memory_space<vmem>> -> memref<1x128xi32, #tpu.memory_space<vmem>>
        %dma_start3A_114 = tpu.memref_squeeze %dma_start3A_113 : memref<1x128xi32, #tpu.memory_space<vmem>> -> memref<128xi32, #tpu.memory_space<vmem>>
        %dma_start3A_115 = arith.constant 0 : i32
        %dma_start3A_116 = tpu.memref_slice %arg4[%arg0, %arg1, %add3A_98, %dma_start3A_115] : memref<2x16x80x128xi32, #tpu.memory_space<hbm>> -> memref<1x1x1x128xi32, #tpu.memory_space<hbm>>
        %dma_start3A_117 = tpu.memref_squeeze %dma_start3A_116 : memref<1x1x1x128xi32, #tpu.memory_space<hbm>> -> memref<128xi32, #tpu.memory_space<hbm>>
        tpu.enqueue_dma source(%dma_start3A_117 : memref<128xi32, #tpu.memory_space<hbm>>) target(%dma_start3A_114 : memref<128xi32, #tpu.memory_space<vmem>>) target_semaphore(%arg14 : memref<!tpu.dma_semaphore, #tpu.memory_space<semaphore_mem>>)
      } else {
      }
      %dma_wait3A_77 = arith.constant 0 : i32
      %dma_wait3A_78 = tpu.memref_slice %arg8[%add3A_35, %dma_wait3A_77] : memref<80x128xi32, #tpu.memory_space<vmem>> -> memref<1x128xi32, #tpu.memory_space<vmem>>
      %dma_wait3A_79 = tpu.memref_squeeze %dma_wait3A_78 : memref<1x128xi32, #tpu.memory_space<vmem>> -> memref<128xi32, #tpu.memory_space<vmem>>
      %dma_wait3A_80 = arith.constant 0 : i32
      %dma_wait3A_81 = arith.constant 0 : i32
      %dma_wait3A_82 = tpu.memref_slice %arg2[%dma_wait3A_80, %dma_wait3A_81] : memref<10240x128xf32, #tpu.memory_space<hbm>> -> memref<10240x128xf32, #tpu.memory_space<hbm>>
      tpu.wait_indirect_dma semaphore(%arg13 : memref<!tpu.dma_semaphore, #tpu.memory_space<semaphore_mem>>) src(%dma_wait3A_82 : memref<10240x128xf32, #tpu.memory_space<hbm>>) dst(%arg11 : memref<128x128xf32, #tpu.memory_space<vmem>>)
      %dma_wait3A_83 = arith.constant 1 : i32
      %dma_wait3A_84 = arith.constant 0 : i32
      %dma_wait3A_85 = tpu.memref_slice %arg9[%dma_wait3A_83, %dma_wait3A_84] : memref<2x128xi32, #tpu.memory_space<vmem>> -> memref<1x128xi32, #tpu.memory_space<vmem>>
      %dma_wait3A_86 = tpu.memref_squeeze %dma_wait3A_85 : memref<1x128xi32, #tpu.memory_space<vmem>> -> memref<128xi32, #tpu.memory_space<vmem>>
      %dma_wait3A_87 = arith.constant 0 : i32
      %dma_wait3A_88 = tpu.memref_slice %arg4[%arg0, %arg1, %add3A_35, %dma_wait3A_87] : memref<2x16x80x128xi32, #tpu.memory_space<hbm>> -> memref<1x1x1x128xi32, #tpu.memory_space<hbm>>
      %dma_wait3A_89 = tpu.memref_squeeze %dma_wait3A_88 : memref<1x1x1x128xi32, #tpu.memory_space<hbm>> -> memref<128xi32, #tpu.memory_space<hbm>>
      %dma_wait3A_90 = arith.constant 0 : i32
      %dma_wait3A_91 = tpu.memref_slice %arg9[%dma_wait3A_83, %dma_wait3A_90] : memref<2x128xi32, #tpu.memory_space<vmem>> -> memref<1x128xi32, #tpu.memory_space<vmem>>
      %dma_wait3A_92 = tpu.memref_squeeze %dma_wait3A_91 : memref<1x128xi32, #tpu.memory_space<vmem>> -> memref<128xi32, #tpu.memory_space<vmem>>
      %dma_wait3A_93 = arith.constant 0 : i32
      %dma_wait3A_94 = tpu.memref_slice %arg4[%arg0, %arg1, %add3A_35, %dma_wait3A_93] : memref<2x16x80x128xi32, #tpu.memory_space<hbm>> -> memref<1x1x1x128xi32, #tpu.memory_space<hbm>>
      %dma_wait3A_95 = tpu.memref_squeeze %dma_wait3A_94 : memref<1x1x1x128xi32, #tpu.memory_space<hbm>> -> memref<128xi32, #tpu.memory_space<hbm>>
      tpu.wait_dma2 semaphore(%arg15 : memref<!tpu.dma_semaphore, #tpu.memory_space<semaphore_mem>>) src(%dma_wait3A_95 : memref<128xi32, #tpu.memory_space<hbm>>) dst(%dma_wait3A_92 : memref<128xi32, #tpu.memory_space<vmem>>)
      %run_scoped3A_96 = arith.constant 1 : i32
      "tpu.region"() ({
        %run_scoped3A_97 = tpu.sem_alloc : memref<!tpu.dma_semaphore, #tpu.memory_space<semaphore_mem>>
        %dma_start3A_98 = arith.constant 0 : i32
        %dma_start3A_99 = tpu.memref_slice %arg9[%run_scoped3A_96, %dma_start3A_98] : memref<2x128xi32, #tpu.memory_space<vmem>> -> memref<1x128xi32, #tpu.memory_space<vmem>>
        %dma_start3A_100 = tpu.memref_squeeze %dma_start3A_99 : memref<1x128xi32, #tpu.memory_space<vmem>> -> memref<128xi32, #tpu.memory_space<vmem>>
        %dma_start3A_101 = arith.constant 0 : i32
        %dma_start3A_102 = arith.constant 0 : i32
        %dma_start3A_103 = tpu.memref_slice %arg7[%dma_start3A_101, %dma_start3A_102] : memref<10240x128xf32, #tpu.memory_space<vmem_shared>> -> memref<10240x128xf32, #tpu.memory_space<vmem_shared>>
        tpu.enqueue_indirect_dma source(%arg11 : memref<128x128xf32, #tpu.memory_space<vmem>>) target(%dma_start3A_103 : memref<10240x128xf32, #tpu.memory_space<vmem_shared>>) offsets(%dma_start3A_100 : memref<128xi32, #tpu.memory_space<vmem>>) semaphore(%run_scoped3A_97 : memref<!tpu.dma_semaphore, #tpu.memory_space<semaphore_mem>>) {add = true}
        %dma_wait3A_104 = arith.constant 0 : i32
        %dma_wait3A_105 = tpu.memref_slice %arg9[%run_scoped3A_96, %dma_wait3A_104] : memref<2x128xi32, #tpu.memory_space<vmem>> -> memref<1x128xi32, #tpu.memory_space<vmem>>
        %dma_wait3A_106 = tpu.memref_squeeze %dma_wait3A_105 : memref<1x128xi32, #tpu.memory_space<vmem>> -> memref<128xi32, #tpu.memory_space<vmem>>
        %dma_wait3A_107 = arith.constant 0 : i32
        %dma_wait3A_108 = arith.constant 0 : i32
        %dma_wait3A_109 = tpu.memref_slice %arg7[%dma_wait3A_107, %dma_wait3A_108] : memref<10240x128xf32, #tpu.memory_space<vmem_shared>> -> memref<10240x128xf32, #tpu.memory_space<vmem_shared>>
        tpu.wait_indirect_dma semaphore(%run_scoped3A_97 : memref<!tpu.dma_semaphore, #tpu.memory_space<semaphore_mem>>) src(%arg11 : memref<128x128xf32, #tpu.memory_space<vmem>>) dst(%dma_wait3A_109 : memref<10240x128xf32, #tpu.memory_space<vmem_shared>>)
        tpu.yield
      }) : () -> ()
    }
    %scan3A_24 = arith.constant 40 : i32
    %barrier3A_25 = arith.constant 0 : index
    tpu.barrier barrier_id(%barrier3A_25)
    "tpu.region"() ({
      %run_scoped3A = tpu.sem_alloc : memref<!tpu.dma_semaphore, #tpu.memory_space<semaphore_mem>>
      %dma_start3A_26 = arith.constant 0 : i32
      %dma_start3A_27 = tpu.memref_slice %arg6[%arg0, %mul3A_0, %dma_start3A_26] : memref<2x10240x128xf32, #tpu.memory_space<hbm>> -> memref<1x640x128xf32, #tpu.memory_space<hbm>>
      %dma_start3A_28 = tpu.memref_squeeze %dma_start3A_27 : memref<1x640x128xf32, #tpu.memory_space<hbm>> -> memref<640x128xf32, #tpu.memory_space<hbm>>
      %dma_start3A_29 = arith.constant 0 : i32
      %dma_start3A_30 = tpu.memref_slice %arg7[%mul3A_0, %dma_start3A_29] : memref<10240x128xf32, #tpu.memory_space<vmem_shared>> -> memref<640x128xf32, #tpu.memory_space<vmem_shared>>
      tpu.enqueue_dma source(%dma_start3A_30 : memref<640x128xf32, #tpu.memory_space<vmem_shared>>) target(%dma_start3A_28 : memref<640x128xf32, #tpu.memory_space<hbm>>) target_semaphore(%run_scoped3A : memref<!tpu.dma_semaphore, #tpu.memory_space<semaphore_mem>>)
      %dma_wait3A = arith.constant 0 : i32
      %dma_wait3A_31 = tpu.memref_slice %arg6[%arg0, %mul3A_0, %dma_wait3A] : memref<2x10240x128xf32, #tpu.memory_space<hbm>> -> memref<1x640x128xf32, #tpu.memory_space<hbm>>
      %dma_wait3A_32 = tpu.memref_squeeze %dma_wait3A_31 : memref<1x640x128xf32, #tpu.memory_space<hbm>> -> memref<640x128xf32, #tpu.memory_space<hbm>>
      %dma_wait3A_33 = arith.constant 0 : i32
      %dma_wait3A_34 = tpu.memref_slice %arg7[%mul3A_0, %dma_wait3A_33] : memref<10240x128xf32, #tpu.memory_space<vmem_shared>> -> memref<640x128xf32, #tpu.memory_space<vmem_shared>>
      tpu.wait_dma2 semaphore(%run_scoped3A : memref<!tpu.dma_semaphore, #tpu.memory_space<semaphore_mem>>) src(%dma_wait3A_34 : memref<640x128xf32, #tpu.memory_space<vmem_shared>>) dst(%dma_wait3A_32 : memref<640x128xf32, #tpu.memory_space<hbm>>)
      tpu.yield
    }) : () -> ()
    return
  }
}

#map = affine_map<(d0, d1) -> (0, 0)>
#map1 = affine_map<(d0, d1) -> (0, 0, 0, 0)>
#map2 = affine_map<(d0, d1) -> (0, 0, 0)>
module attributes {stable_mosaic.version = 14 : i64} {
  func.func @k(%arg0: i32, %arg1: i32, %arg2: memref<10240x128xf32, #tpu.memory_space<hbm>>, %arg3: memref<2x16x80x128xi32, #tpu.memory_space<hbm>>, %arg4: memref<2x16x80x128xi32, #tpu.memory_space<hbm>>, %arg5: memref<640x128xf32, #tpu.memory_space<hbm>>, %arg6: memref<2x10240x128xf32, #tpu.memory_space<hbm>>, %arg7: memref<10240x128xf32, #tpu.memory_space<vmem_shared>>, %arg8: memref<80x128xi32, #tpu.memory_space<vmem>>, %arg9: memref<2x128xi32, #tpu.memory_space<vmem>>, %arg10: memref<128x128xf32, #tpu.memory_space<vmem>>, %arg11: memref<128x128xf32, #tpu.memory_space<vmem>>, %arg12: memref<!tpu.dma_semaphore, #tpu.memory_space<semaphore_mem>>, %arg13: memref<!tpu.dma_semaphore, #tpu.memory_space<semaphore_mem>>, %arg14: memref<!tpu.dma_semaphore, #tpu.memory_space<semaphore_mem>>, %arg15: memref<!tpu.dma_semaphore, #tpu.memory_space<semaphore_mem>>) attributes {dimension_semantics = [#tpu.dimension_semantics<core_parallel>, #tpu.dimension_semantics<subcore_parallel>], iteration_bounds = array<i64: 2, 16>, scalar_prefetch = 0 : i64, scratch_operands = 9 : i64, tpu.core_type = #tpu.core_type<sc_vector_subcore>, window_params = [{transform_indices = #map}, {transform_indices = #map1}, {transform_indices = #map1}, {transform_indices = #map}, {transform_indices = #map2}]} {
    %mul3A = arith.constant 640 : i32
    %mul3A_0 = arith.muli %arg1, %mul3A : i32
    "tpu.region"() ({
      %run_scoped3A = tpu.sem_alloc : memref<!tpu.dma_semaphore, #tpu.memory_space<semaphore_mem>>
      %dma_start3A_26 = arith.constant 0 : i32
      %dma_start3A_27 = arith.constant 0 : i32
      %dma_start3A_28 = tpu.memref_slice %arg3[%arg0, %arg1, %dma_start3A_26, %dma_start3A_27] : memref<2x16x80x128xi32, #tpu.memory_space<hbm>> -> memref<1x1x80x128xi32, #tpu.memory_space<hbm>>
      %dma_start3A_29 = tpu.memref_squeeze %dma_start3A_28 : memref<1x1x80x128xi32, #tpu.memory_space<hbm>> -> memref<80x128xi32, #tpu.memory_space<hbm>>
      %dma_start3A_30 = arith.constant 0 : i32
      %dma_start3A_31 = arith.constant 0 : i32
      %dma_start3A_32 = tpu.memref_slice %arg3[%arg0, %arg1, %dma_start3A_30, %dma_start3A_31] : memref<2x16x80x128xi32, #tpu.memory_space<hbm>> -> memref<1x1x80x128xi32, #tpu.memory_space<hbm>>
      %dma_start3A_33 = tpu.memref_squeeze %dma_start3A_32 : memref<1x1x80x128xi32, #tpu.memory_space<hbm>> -> memref<80x128xi32, #tpu.memory_space<hbm>>
      tpu.enqueue_dma source(%dma_start3A_33 : memref<80x128xi32, #tpu.memory_space<hbm>>) target(%arg8 : memref<80x128xi32, #tpu.memory_space<vmem>>) target_semaphore(%run_scoped3A : memref<!tpu.dma_semaphore, #tpu.memory_space<semaphore_mem>>)
      %dma_wait3A = arith.constant 0 : i32
      %dma_wait3A_34 = arith.constant 0 : i32
      %dma_wait3A_35 = tpu.memref_slice %arg3[%arg0, %arg1, %dma_wait3A, %dma_wait3A_34] : memref<2x16x80x128xi32, #tpu.memory_space<hbm>> -> memref<1x1x80x128xi32, #tpu.memory_space<hbm>>
      %dma_wait3A_36 = tpu.memref_squeeze %dma_wait3A_35 : memref<1x1x80x128xi32, #tpu.memory_space<hbm>> -> memref<80x128xi32, #tpu.memory_space<hbm>>
      %dma_wait3A_37 = arith.constant 0 : i32
      %dma_wait3A_38 = arith.constant 0 : i32
      %dma_wait3A_39 = tpu.memref_slice %arg3[%arg0, %arg1, %dma_wait3A_37, %dma_wait3A_38] : memref<2x16x80x128xi32, #tpu.memory_space<hbm>> -> memref<1x1x80x128xi32, #tpu.memory_space<hbm>>
      %dma_wait3A_40 = tpu.memref_squeeze %dma_wait3A_39 : memref<1x1x80x128xi32, #tpu.memory_space<hbm>> -> memref<80x128xi32, #tpu.memory_space<hbm>>
      tpu.wait_dma2 semaphore(%run_scoped3A : memref<!tpu.dma_semaphore, #tpu.memory_space<semaphore_mem>>) src(%dma_wait3A_40 : memref<80x128xi32, #tpu.memory_space<hbm>>) dst(%arg8 : memref<80x128xi32, #tpu.memory_space<vmem>>)
      tpu.yield
    }) : () -> ()
    %dma_start3A = arith.constant 0 : i32
    %dma_start3A_1 = arith.constant 0 : i32
    %dma_start3A_2 = tpu.memref_slice %arg8[%dma_start3A, %dma_start3A_1] : memref<80x128xi32, #tpu.memory_space<vmem>> -> memref<1x128xi32, #tpu.memory_space<vmem>>
    %dma_start3A_3 = tpu.memref_squeeze %dma_start3A_2 : memref<1x128xi32, #tpu.memory_space<vmem>> -> memref<128xi32, #tpu.memory_space<vmem>>
    %dma_start3A_4 = arith.constant 0 : i32
    %dma_start3A_5 = arith.constant 0 : i32
    %dma_start3A_6 = tpu.memref_slice %arg2[%dma_start3A_4, %dma_start3A_5] : memref<10240x128xf32, #tpu.memory_space<hbm>> -> memref<10240x128xf32, #tpu.memory_space<hbm>>
    tpu.enqueue_indirect_dma source(%dma_start3A_6 : memref<10240x128xf32, #tpu.memory_space<hbm>>) target(%arg10 : memref<128x128xf32, #tpu.memory_space<vmem>>) offsets(%dma_start3A_3 : memref<128xi32, #tpu.memory_space<vmem>>) semaphore(%arg12 : memref<!tpu.dma_semaphore, #tpu.memory_space<semaphore_mem>>)
    %dma_start3A_7 = arith.constant 0 : i32
    %dma_start3A_8 = arith.constant 0 : i32
    %dma_start3A_9 = arith.constant 0 : i32
    %dma_start3A_10 = tpu.memref_slice %arg9[%dma_start3A_8, %dma_start3A_9] : memref<2x128xi32, #tpu.memory_space<vmem>> -> memref<1x128xi32, #tpu.memory_space<vmem>>
    %dma_start3A_11 = tpu.memref_squeeze %dma_start3A_10 : memref<1x128xi32, #tpu.memory_space<vmem>> -> memref<128xi32, #tpu.memory_space<vmem>>
    %dma_start3A_12 = arith.constant 0 : i32
    %dma_start3A_13 = tpu.memref_slice %arg4[%arg0, %arg1, %dma_start3A_7, %dma_start3A_12] : memref<2x16x80x128xi32, #tpu.memory_space<hbm>> -> memref<1x1x1x128xi32, #tpu.memory_space<hbm>>
    %dma_start3A_14 = tpu.memref_squeeze %dma_start3A_13 : memref<1x1x1x128xi32, #tpu.memory_space<hbm>> -> memref<128xi32, #tpu.memory_space<hbm>>
    %dma_start3A_15 = arith.constant 0 : i32
    %dma_start3A_16 = tpu.memref_slice %arg9[%dma_start3A_8, %dma_start3A_15] : memref<2x128xi32, #tpu.memory_space<vmem>> -> memref<1x128xi32, #tpu.memory_space<vmem>>
    %dma_start3A_17 = tpu.memref_squeeze %dma_start3A_16 : memref<1x128xi32, #tpu.memory_space<vmem>> -> memref<128xi32, #tpu.memory_space<vmem>>
    %dma_start3A_18 = arith.constant 0 : i32
    %dma_start3A_19 = tpu.memref_slice %arg4[%arg0, %arg1, %dma_start3A_7, %dma_start3A_18] : memref<2x16x80x128xi32, #tpu.memory_space<hbm>> -> memref<1x1x1x128xi32, #tpu.memory_space<hbm>>
    %dma_start3A_20 = tpu.memref_squeeze %dma_start3A_19 : memref<1x1x1x128xi32, #tpu.memory_space<hbm>> -> memref<128xi32, #tpu.memory_space<hbm>>
    tpu.enqueue_dma source(%dma_start3A_20 : memref<128xi32, #tpu.memory_space<hbm>>) target(%dma_start3A_17 : memref<128xi32, #tpu.memory_space<vmem>>) target_semaphore(%arg14 : memref<!tpu.dma_semaphore, #tpu.memory_space<semaphore_mem>>)
    "tpu.region"() ({
      %run_scoped3A = tpu.sem_alloc : memref<!tpu.dma_semaphore, #tpu.memory_space<semaphore_mem>>
      %dma_start3A_26 = arith.constant 0 : i32
      %dma_start3A_27 = tpu.memref_slice %arg7[%mul3A_0, %dma_start3A_26] : memref<10240x128xf32, #tpu.memory_space<vmem_shared>> -> memref<640x128xf32, #tpu.memory_space<vmem_shared>>
      tpu.enqueue_dma source(%arg5 : memref<640x128xf32, #tpu.memory_space<hbm>>) target(%dma_start3A_27 : memref<640x128xf32, #tpu.memory_space<vmem_shared>>) target_semaphore(%run_scoped3A : memref<!tpu.dma_semaphore, #tpu.memory_space<semaphore_mem>>)
      %dma_wait3A = arith.constant 0 : i32
      %dma_wait3A_28 = tpu.memref_slice %arg7[%mul3A_0, %dma_wait3A] : memref<10240x128xf32, #tpu.memory_space<vmem_shared>> -> memref<640x128xf32, #tpu.memory_space<vmem_shared>>
      tpu.wait_dma2 semaphore(%run_scoped3A : memref<!tpu.dma_semaphore, #tpu.memory_space<semaphore_mem>>) src(%arg5 : memref<640x128xf32, #tpu.memory_space<hbm>>) dst(%dma_wait3A_28 : memref<640x128xf32, #tpu.memory_space<vmem_shared>>)
      tpu.yield
    }) : () -> ()
    %barrier3A = arith.constant 0 : index
    tpu.barrier barrier_id(%barrier3A)
    %scan3A = arith.constant 0 : i32
    %scan3A_21 = arith.constant 40 : i32
    %scan3A_22 = arith.addi %scan3A, %scan3A_21 : i32
    %scan3A_23 = arith.constant 1 : i32
    scf.for %scan3A_26 = %scan3A to %scan3A_22 step %scan3A_23  : i32 {
      %mul3A_27 = arith.constant 1 : i32
      %mul3A_28 = arith.muli %scan3A_26, %mul3A_27 : i32
      %add3A = arith.constant 0 : i32
      %add3A_29 = arith.addi %add3A, %mul3A_28 : i32
      %mul3A_30 = arith.constant 2 : i32
      %mul3A_31 = arith.muli %mul3A_30, %add3A_29 : i32
      %mul3A_32 = arith.constant 2 : i32
      %mul3A_33 = arith.muli %mul3A_32, %add3A_29 : i32
      %add3A_34 = arith.constant 1 : i32
      %add3A_35 = arith.addi %mul3A_33, %add3A_34 : i32
      %dma_start3A_36 = arith.constant 0 : i32
      %dma_start3A_37 = tpu.memref_slice %arg8[%add3A_35, %dma_start3A_36] : memref<80x128xi32, #tpu.memory_space<vmem>> -> memref<1x128xi32, #tpu.memory_space<vmem>>
      %dma_start3A_38 = tpu.memref_squeeze %dma_start3A_37 : memref<1x128xi32, #tpu.memory_space<vmem>> -> memref<128xi32, #tpu.memory_space<vmem>>
      %dma_start3A_39 = arith.constant 0 : i32
      %dma_start3A_40 = arith.constant 0 : i32
      %dma_start3A_41 = tpu.memref_slice %arg2[%dma_start3A_39, %dma_start3A_40] : memref<10240x128xf32, #tpu.memory_space<hbm>> -> memref<10240x128xf32, #tpu.memory_space<hbm>>
      tpu.enqueue_indirect_dma source(%dma_start3A_41 : memref<10240x128xf32, #tpu.memory_space<hbm>>) target(%arg11 : memref<128x128xf32, #tpu.memory_space<vmem>>) offsets(%dma_start3A_38 : memref<128xi32, #tpu.memory_space<vmem>>) semaphore(%arg13 : memref<!tpu.dma_semaphore, #tpu.memory_space<semaphore_mem>>)
      %dma_start3A_42 = arith.constant 1 : i32
      %dma_start3A_43 = arith.constant 0 : i32
      %dma_start3A_44 = tpu.memref_slice %arg9[%dma_start3A_42, %dma_start3A_43] : memref<2x128xi32, #tpu.memory_space<vmem>> -> memref<1x128xi32, #tpu.memory_space<vmem>>
      %dma_start3A_45 = tpu.memref_squeeze %dma_start3A_44 : memref<1x128xi32, #tpu.memory_space<vmem>> -> memref<128xi32, #tpu.memory_space<vmem>>
      %dma_start3A_46 = arith.constant 0 : i32
      %dma_start3A_47 = tpu.memref_slice %arg4[%arg0, %arg1, %add3A_35, %dma_start3A_46] : memref<2x16x80x128xi32, #tpu.memory_space<hbm>> -> memref<1x1x1x128xi32, #tpu.memory_space<hbm>>
      %dma_start3A_48 = tpu.memref_squeeze %dma_start3A_47 : memref<1x1x1x128xi32, #tpu.memory_space<hbm>> -> memref<128xi32, #tpu.memory_space<hbm>>
      %dma_start3A_49 = arith.constant 0 : i32
      %dma_start3A_50 = tpu.memref_slice %arg9[%dma_start3A_42, %dma_start3A_49] : memref<2x128xi32, #tpu.memory_space<vmem>> -> memref<1x128xi32, #tpu.memory_space<vmem>>
      %dma_start3A_51 = tpu.memref_squeeze %dma_start3A_50 : memref<1x128xi32, #tpu.memory_space<vmem>> -> memref<128xi32, #tpu.memory_space<vmem>>
      %dma_start3A_52 = arith.constant 0 : i32
      %dma_start3A_53 = tpu.memref_slice %arg4[%arg0, %arg1, %add3A_35, %dma_start3A_52] : memref<2x16x80x128xi32, #tpu.memory_space<hbm>> -> memref<1x1x1x128xi32, #tpu.memory_space<hbm>>
      %dma_start3A_54 = tpu.memref_squeeze %dma_start3A_53 : memref<1x1x1x128xi32, #tpu.memory_space<hbm>> -> memref<128xi32, #tpu.memory_space<hbm>>
      tpu.enqueue_dma source(%dma_start3A_54 : memref<128xi32, #tpu.memory_space<hbm>>) target(%dma_start3A_51 : memref<128xi32, #tpu.memory_space<vmem>>) target_semaphore(%arg15 : memref<!tpu.dma_semaphore, #tpu.memory_space<semaphore_mem>>)
      %dma_wait3A = arith.constant 0 : i32
      %dma_wait3A_55 = tpu.memref_slice %arg8[%mul3A_31, %dma_wait3A] : memref<80x128xi32, #tpu.memory_space<vmem>> -> memref<1x128xi32, #tpu.memory_space<vmem>>
      %dma_wait3A_56 = tpu.memref_squeeze %dma_wait3A_55 : memref<1x128xi32, #tpu.memory_space<vmem>> -> memref<128xi32, #tpu.memory_space<vmem>>
      %dma_wait3A_57 = arith.constant 0 : i32
      %dma_wait3A_58 = arith.constant 0 : i32
      %dma_wait3A_59 = tpu.memref_slice %arg2[%dma_wait3A_57, %dma_wait3A_58] : memref<10240x128xf32, #tpu.memory_space<hbm>> -> memref<10240x128xf32, #tpu.memory_space<hbm>>
      tpu.wait_indirect_dma semaphore(%arg12 : memref<!tpu.dma_semaphore, #tpu.memory_space<semaphore_mem>>) src(%dma_wait3A_59 : memref<10240x128xf32, #tpu.memory_space<hbm>>) dst(%arg10 : memref<128x128xf32, #tpu.memory_space<vmem>>)
      %dma_wait3A_60 = arith.constant 0 : i32
      %dma_wait3A_61 = arith.constant 0 : i32
      %dma_wait3A_62 = tpu.memref_slice %arg9[%dma_wait3A_60, %dma_wait3A_61] : memref<2x128xi32, #tpu.memory_space<vmem>> -> memref<1x128xi32, #tpu.memory_space<vmem>>
      %dma_wait3A_63 = tpu.memref_squeeze %dma_wait3A_62 : memref<1x128xi32, #tpu.memory_space<vmem>> -> memref<128xi32, #tpu.memory_space<vmem>>
      %dma_wait3A_64 = arith.constant 0 : i32
      %dma_wait3A_65 = tpu.memref_slice %arg4[%arg0, %arg1, %mul3A_31, %dma_wait3A_64] : memref<2x16x80x128xi32, #tpu.memory_space<hbm>> -> memref<1x1x1x128xi32, #tpu.memory_space<hbm>>
      %dma_wait3A_66 = tpu.memref_squeeze %dma_wait3A_65 : memref<1x1x1x128xi32, #tpu.memory_space<hbm>> -> memref<128xi32, #tpu.memory_space<hbm>>
      %dma_wait3A_67 = arith.constant 0 : i32
      %dma_wait3A_68 = tpu.memref_slice %arg9[%dma_wait3A_60, %dma_wait3A_67] : memref<2x128xi32, #tpu.memory_space<vmem>> -> memref<1x128xi32, #tpu.memory_space<vmem>>
      %dma_wait3A_69 = tpu.memref_squeeze %dma_wait3A_68 : memref<1x128xi32, #tpu.memory_space<vmem>> -> memref<128xi32, #tpu.memory_space<vmem>>
      %dma_wait3A_70 = arith.constant 0 : i32
      %dma_wait3A_71 = tpu.memref_slice %arg4[%arg0, %arg1, %mul3A_31, %dma_wait3A_70] : memref<2x16x80x128xi32, #tpu.memory_space<hbm>> -> memref<1x1x1x128xi32, #tpu.memory_space<hbm>>
      %dma_wait3A_72 = tpu.memref_squeeze %dma_wait3A_71 : memref<1x1x1x128xi32, #tpu.memory_space<hbm>> -> memref<128xi32, #tpu.memory_space<hbm>>
      tpu.wait_dma2 semaphore(%arg14 : memref<!tpu.dma_semaphore, #tpu.memory_space<semaphore_mem>>) src(%dma_wait3A_72 : memref<128xi32, #tpu.memory_space<hbm>>) dst(%dma_wait3A_69 : memref<128xi32, #tpu.memory_space<vmem>>)
      %run_scoped3A = arith.constant 0 : i32
      "tpu.region"() ({
        %run_scoped3A_97 = tpu.sem_alloc : memref<!tpu.dma_semaphore, #tpu.memory_space<semaphore_mem>>
        %dma_start3A_98 = arith.constant 0 : i32
        %dma_start3A_99 = tpu.memref_slice %arg9[%run_scoped3A, %dma_start3A_98] : memref<2x128xi32, #tpu.memory_space<vmem>> -> memref<1x128xi32, #tpu.memory_space<vmem>>
        %dma_start3A_100 = tpu.memref_squeeze %dma_start3A_99 : memref<1x128xi32, #tpu.memory_space<vmem>> -> memref<128xi32, #tpu.memory_space<vmem>>
        %dma_start3A_101 = arith.constant 0 : i32
        %dma_start3A_102 = arith.constant 0 : i32
        %dma_start3A_103 = tpu.memref_slice %arg7[%dma_start3A_101, %dma_start3A_102] : memref<10240x128xf32, #tpu.memory_space<vmem_shared>> -> memref<10240x128xf32, #tpu.memory_space<vmem_shared>>
        tpu.enqueue_indirect_dma source(%arg10 : memref<128x128xf32, #tpu.memory_space<vmem>>) target(%dma_start3A_103 : memref<10240x128xf32, #tpu.memory_space<vmem_shared>>) offsets(%dma_start3A_100 : memref<128xi32, #tpu.memory_space<vmem>>) semaphore(%run_scoped3A_97 : memref<!tpu.dma_semaphore, #tpu.memory_space<semaphore_mem>>) {add = true}
        %dma_wait3A_104 = arith.constant 0 : i32
        %dma_wait3A_105 = tpu.memref_slice %arg9[%run_scoped3A, %dma_wait3A_104] : memref<2x128xi32, #tpu.memory_space<vmem>> -> memref<1x128xi32, #tpu.memory_space<vmem>>
        %dma_wait3A_106 = tpu.memref_squeeze %dma_wait3A_105 : memref<1x128xi32, #tpu.memory_space<vmem>> -> memref<128xi32, #tpu.memory_space<vmem>>
        %dma_wait3A_107 = arith.constant 0 : i32
        %dma_wait3A_108 = arith.constant 0 : i32
        %dma_wait3A_109 = tpu.memref_slice %arg7[%dma_wait3A_107, %dma_wait3A_108] : memref<10240x128xf32, #tpu.memory_space<vmem_shared>> -> memref<10240x128xf32, #tpu.memory_space<vmem_shared>>
        tpu.wait_indirect_dma semaphore(%run_scoped3A_97 : memref<!tpu.dma_semaphore, #tpu.memory_space<semaphore_mem>>) src(%arg10 : memref<128x128xf32, #tpu.memory_space<vmem>>) dst(%dma_wait3A_109 : memref<10240x128xf32, #tpu.memory_space<vmem_shared>>)
        tpu.yield
      }) : () -> ()
      %add3A_73 = arith.constant 1 : i32
      %add3A_74 = arith.addi %add3A_35, %add3A_73 : i32
      %lt3A = arith.constant 80 : i32
      %lt3A_75 = arith.cmpi slt, %add3A_74, %lt3A : i32
      %convert_element_type3A = arith.extui %lt3A_75 : i1 to i32
      %cond3A = arith.constant 0 : i32
      %cond3A_76 = arith.cmpi ne, %convert_element_type3A, %cond3A : i32
      scf.if %cond3A_76 {
        %add3A_97 = arith.constant 1 : i32
        %add3A_98 = arith.addi %add3A_35, %add3A_97 : i32
        %dma_start3A_99 = arith.constant 0 : i32
        %dma_start3A_100 = tpu.memref_slice %arg8[%add3A_98, %dma_start3A_99] : memref<80x128xi32, #tpu.memory_space<vmem>> -> memref<1x128xi32, #tpu.memory_space<vmem>>
        %dma_start3A_101 = tpu.memref_squeeze %dma_start3A_100 : memref<1x128xi32, #tpu.memory_space<vmem>> -> memref<128xi32, #tpu.memory_space<vmem>>
        %dma_start3A_102 = arith.constant 0 : i32
        %dma_start3A_103 = arith.constant 0 : i32
        %dma_start3A_104 = tpu.memref_slice %arg2[%dma_start3A_102, %dma_start3A_103] : memref<10240x128xf32, #tpu.memory_space<hbm>> -> memref<10240x128xf32, #tpu.memory_space<hbm>>
        tpu.enqueue_indirect_dma source(%dma_start3A_104 : memref<10240x128xf32, #tpu.memory_space<hbm>>) target(%arg10 : memref<128x128xf32, #tpu.memory_space<vmem>>) offsets(%dma_start3A_101 : memref<128xi32, #tpu.memory_space<vmem>>) semaphore(%arg12 : memref<!tpu.dma_semaphore, #tpu.memory_space<semaphore_mem>>)
        %dma_start3A_105 = arith.constant 0 : i32
        %dma_start3A_106 = arith.constant 0 : i32
        %dma_start3A_107 = tpu.memref_slice %arg9[%dma_start3A_105, %dma_start3A_106] : memref<2x128xi32, #tpu.memory_space<vmem>> -> memref<1x128xi32, #tpu.memory_space<vmem>>
        %dma_start3A_108 = tpu.memref_squeeze %dma_start3A_107 : memref<1x128xi32, #tpu.memory_space<vmem>> -> memref<128xi32, #tpu.memory_space<vmem>>
        %dma_start3A_109 = arith.constant 0 : i32
        %dma_start3A_110 = tpu.memref_slice %arg4[%arg0, %arg1, %add3A_98, %dma_start3A_109] : memref<2x16x80x128xi32, #tpu.memory_space<hbm>> -> memref<1x1x1x128xi32, #tpu.memory_space<hbm>>
        %dma_start3A_111 = tpu.memref_squeeze %dma_start3A_110 : memref<1x1x1x128xi32, #tpu.memory_space<hbm>> -> memref<128xi32, #tpu.memory_space<hbm>>
        %dma_start3A_112 = arith.constant 0 : i32
        %dma_start3A_113 = tpu.memref_slice %arg9[%dma_start3A_105, %dma_start3A_112] : memref<2x128xi32, #tpu.memory_space<vmem>> -> memref<1x128xi32, #tpu.memory_space<vmem>>
        %dma_start3A_114 = tpu.memref_squeeze %dma_start3A_113 : memref<1x128xi32, #tpu.memory_space<vmem>> -> memref<128xi32, #tpu.memory_space<vmem>>
        %dma_start3A_115 = arith.constant 0 : i32
        %dma_start3A_116 = tpu.memref_slice %arg4[%arg0, %arg1, %add3A_98, %dma_start3A_115] : memref<2x16x80x128xi32, #tpu.memory_space<hbm>> -> memref<1x1x1x128xi32, #tpu.memory_space<hbm>>
        %dma_start3A_117 = tpu.memref_squeeze %dma_start3A_116 : memref<1x1x1x128xi32, #tpu.memory_space<hbm>> -> memref<128xi32, #tpu.memory_space<hbm>>
        tpu.enqueue_dma source(%dma_start3A_117 : memref<128xi32, #tpu.memory_space<hbm>>) target(%dma_start3A_114 : memref<128xi32, #tpu.memory_space<vmem>>) target_semaphore(%arg14 : memref<!tpu.dma_semaphore, #tpu.memory_space<semaphore_mem>>)
      } else {
      }
      %dma_wait3A_77 = arith.constant 0 : i32
      %dma_wait3A_78 = tpu.memref_slice %arg8[%add3A_35, %dma_wait3A_77] : memref<80x128xi32, #tpu.memory_space<vmem>> -> memref<1x128xi32, #tpu.memory_space<vmem>>
      %dma_wait3A_79 = tpu.memref_squeeze %dma_wait3A_78 : memref<1x128xi32, #tpu.memory_space<vmem>> -> memref<128xi32, #tpu.memory_space<vmem>>
      %dma_wait3A_80 = arith.constant 0 : i32
      %dma_wait3A_81 = arith.constant 0 : i32
      %dma_wait3A_82 = tpu.memref_slice %arg2[%dma_wait3A_80, %dma_wait3A_81] : memref<10240x128xf32, #tpu.memory_space<hbm>> -> memref<10240x128xf32, #tpu.memory_space<hbm>>
      tpu.wait_indirect_dma semaphore(%arg13 : memref<!tpu.dma_semaphore, #tpu.memory_space<semaphore_mem>>) src(%dma_wait3A_82 : memref<10240x128xf32, #tpu.memory_space<hbm>>) dst(%arg11 : memref<128x128xf32, #tpu.memory_space<vmem>>)
      %dma_wait3A_83 = arith.constant 1 : i32
      %dma_wait3A_84 = arith.constant 0 : i32
      %dma_wait3A_85 = tpu.memref_slice %arg9[%dma_wait3A_83, %dma_wait3A_84] : memref<2x128xi32, #tpu.memory_space<vmem>> -> memref<1x128xi32, #tpu.memory_space<vmem>>
      %dma_wait3A_86 = tpu.memref_squeeze %dma_wait3A_85 : memref<1x128xi32, #tpu.memory_space<vmem>> -> memref<128xi32, #tpu.memory_space<vmem>>
      %dma_wait3A_87 = arith.constant 0 : i32
      %dma_wait3A_88 = tpu.memref_slice %arg4[%arg0, %arg1, %add3A_35, %dma_wait3A_87] : memref<2x16x80x128xi32, #tpu.memory_space<hbm>> -> memref<1x1x1x128xi32, #tpu.memory_space<hbm>>
      %dma_wait3A_89 = tpu.memref_squeeze %dma_wait3A_88 : memref<1x1x1x128xi32, #tpu.memory_space<hbm>> -> memref<128xi32, #tpu.memory_space<hbm>>
      %dma_wait3A_90 = arith.constant 0 : i32
      %dma_wait3A_91 = tpu.memref_slice %arg9[%dma_wait3A_83, %dma_wait3A_90] : memref<2x128xi32, #tpu.memory_space<vmem>> -> memref<1x128xi32, #tpu.memory_space<vmem>>
      %dma_wait3A_92 = tpu.memref_squeeze %dma_wait3A_91 : memref<1x128xi32, #tpu.memory_space<vmem>> -> memref<128xi32, #tpu.memory_space<vmem>>
      %dma_wait3A_93 = arith.constant 0 : i32
      %dma_wait3A_94 = tpu.memref_slice %arg4[%arg0, %arg1, %add3A_35, %dma_wait3A_93] : memref<2x16x80x128xi32, #tpu.memory_space<hbm>> -> memref<1x1x1x128xi32, #tpu.memory_space<hbm>>
      %dma_wait3A_95 = tpu.memref_squeeze %dma_wait3A_94 : memref<1x1x1x128xi32, #tpu.memory_space<hbm>> -> memref<128xi32, #tpu.memory_space<hbm>>
      tpu.wait_dma2 semaphore(%arg15 : memref<!tpu.dma_semaphore, #tpu.memory_space<semaphore_mem>>) src(%dma_wait3A_95 : memref<128xi32, #tpu.memory_space<hbm>>) dst(%dma_wait3A_92 : memref<128xi32, #tpu.memory_space<vmem>>)
      %run_scoped3A_96 = arith.constant 1 : i32
      "tpu.region"() ({
        %run_scoped3A_97 = tpu.sem_alloc : memref<!tpu.dma_semaphore, #tpu.memory_space<semaphore_mem>>
        %dma_start3A_98 = arith.constant 0 : i32
        %dma_start3A_99 = tpu.memref_slice %arg9[%run_scoped3A_96, %dma_start3A_98] : memref<2x128xi32, #tpu.memory_space<vmem>> -> memref<1x128xi32, #tpu.memory_space<vmem>>
        %dma_start3A_100 = tpu.memref_squeeze %dma_start3A_99 : memref<1x128xi32, #tpu.memory_space<vmem>> -> memref<128xi32, #tpu.memory_space<vmem>>
        %dma_start3A_101 = arith.constant 0 : i32
        %dma_start3A_102 = arith.constant 0 : i32
        %dma_start3A_103 = tpu.memref_slice %arg7[%dma_start3A_101, %dma_start3A_102] : memref<10240x128xf32, #tpu.memory_space<vmem_shared>> -> memref<10240x128xf32, #tpu.memory_space<vmem_shared>>
        tpu.enqueue_indirect_dma source(%arg11 : memref<128x128xf32, #tpu.memory_space<vmem>>) target(%dma_start3A_103 : memref<10240x128xf32, #tpu.memory_space<vmem_shared>>) offsets(%dma_start3A_100 : memref<128xi32, #tpu.memory_space<vmem>>) semaphore(%run_scoped3A_97 : memref<!tpu.dma_semaphore, #tpu.memory_space<semaphore_mem>>) {add = true}
        %dma_wait3A_104 = arith.constant 0 : i32
        %dma_wait3A_105 = tpu.memref_slice %arg9[%run_scoped3A_96, %dma_wait3A_104] : memref<2x128xi32, #tpu.memory_space<vmem>> -> memref<1x128xi32, #tpu.memory_space<vmem>>
        %dma_wait3A_106 = tpu.memref_squeeze %dma_wait3A_105 : memref<1x128xi32, #tpu.memory_space<vmem>> -> memref<128xi32, #tpu.memory_space<vmem>>
        %dma_wait3A_107 = arith.constant 0 : i32
        %dma_wait3A_108 = arith.constant 0 : i32
        %dma_wait3A_109 = tpu.memref_slice %arg7[%dma_wait3A_107, %dma_wait3A_108] : memref<10240x128xf32, #tpu.memory_space<vmem_shared>> -> memref<10240x128xf32, #tpu.memory_space<vmem_shared>>
        tpu.wait_indirect_dma semaphore(%run_scoped3A_97 : memref<!tpu.dma_semaphore, #tpu.memory_space<semaphore_mem>>) src(%arg11 : memref<128x128xf32, #tpu.memory_space<vmem>>) dst(%dma_wait3A_109 : memref<10240x128xf32, #tpu.memory_space<vmem_shared>>)
        tpu.yield
      }) : () -> ()
    }
    %scan3A_24 = arith.constant 40 : i32
    %barrier3A_25 = arith.constant 0 : index
    tpu.barrier barrier_id(%barrier3A_25)
    "tpu.region"() ({
      %run_scoped3A = tpu.sem_alloc : memref<!tpu.dma_semaphore, #tpu.memory_space<semaphore_mem>>
      %dma_start3A_26 = arith.constant 0 : i32
      %dma_start3A_27 = tpu.memref_slice %arg6[%arg0, %mul3A_0, %dma_start3A_26] : memref<2x10240x128xf32, #tpu.memory_space<hbm>> -> memref<1x640x128xf32, #tpu.memory_space<hbm>>
      %dma_start3A_28 = tpu.memref_squeeze %dma_start3A_27 : memref<1x640x128xf32, #tpu.memory_space<hbm>> -> memref<640x128xf32, #tpu.memory_space<hbm>>
      %dma_start3A_29 = arith.constant 0 : i32
      %dma_start3A_30 = tpu.memref_slice %arg7[%mul3A_0, %dma_start3A_29] : memref<10240x128xf32, #tpu.memory_space<vmem_shared>> -> memref<640x128xf32, #tpu.memory_space<vmem_shared>>
      tpu.enqueue_dma source(%dma_start3A_30 : memref<640x128xf32, #tpu.memory_space<vmem_shared>>) target(%dma_start3A_28 : memref<640x128xf32, #tpu.memory_space<hbm>>) target_semaphore(%run_scoped3A : memref<!tpu.dma_semaphore, #tpu.memory_space<semaphore_mem>>)
      %dma_wait3A = arith.constant 0 : i32
      %dma_wait3A_31 = tpu.memref_slice %arg6[%arg0, %mul3A_0, %dma_wait3A] : memref<2x10240x128xf32, #tpu.memory_space<hbm>> -> memref<1x640x128xf32, #tpu.memory_space<hbm>>
      %dma_wait3A_32 = tpu.memref_squeeze %dma_wait3A_31 : memref<1x640x128xf32, #tpu.memory_space<hbm>> -> memref<640x128xf32, #tpu.memory_space<hbm>>
      %dma_wait3A_33 = arith.constant 0 : i32
      %dma_wait3A_34 = tpu.memref_slice %arg7[%mul3A_0, %dma_wait3A_33] : memref<10240x128xf32, #tpu.memory_space<vmem_shared>> -> memref<640x128xf32, #tpu.memory_space<vmem_shared>>
      tpu.wait_dma2 semaphore(%run_scoped3A : memref<!tpu.dma_semaphore, #tpu.memory_space<semaphore_mem>>) src(%dma_wait3A_34 : memref<640x128xf32, #tpu.memory_space<vmem_shared>>) dst(%dma_wait3A_32 : memref<640x128xf32, #tpu.memory_space<hbm>>)
      tpu.yield
    }) : () -> ()
    return
  }
}

module attributes {stable_mosaic.version = 14 : i64} {
  func.func @_proj_body(%arg0: i32, %arg1: memref<1024x128xf32, #tpu.memory_space<vmem>>, %arg2: memref<400x16xf32, #tpu.memory_space<vmem>>, %arg3: memref<128x128xf32, #tpu.memory_space<vmem>>, %arg4: memref<16x128xf32, #tpu.memory_space<vmem>>, %arg5: memref<1024x128xf32, #tpu.memory_space<vmem>>) attributes {dimension_semantics = [#tpu.dimension_semantics<arbitrary>], iteration_bounds = array<i64: 10>, scalar_prefetch = 0 : i64, scratch_operands = 0 : i64, tpu.core_type = #tpu.core_type<tc>, window_params = [{transform_indices = @transform_0, window_bounds = array<i64: 1024, 128>}, {pipeline_mode = #tpu.pipeline_mode<synchronous>, transform_indices = @transform_1, window_bounds = array<i64: 400, 16>}, {pipeline_mode = #tpu.pipeline_mode<synchronous>, transform_indices = @transform_2, window_bounds = array<i64: 128, 128>}, {pipeline_mode = #tpu.pipeline_mode<synchronous>, transform_indices = @transform_3, window_bounds = array<i64: 16, 128>}, {transform_indices = @transform_4, window_bounds = array<i64: 1024, 128>}]} {
    %get3A = arith.constant 0 : index
    %get3A_0 = arith.constant 0 : index
    %get3A_1 = vector.load %arg1[%get3A, %get3A_0] : memref<1024x128xf32, #tpu.memory_space<vmem>>, vector<1024x128xf32>
    %get3A_2 = arith.constant 0 : index
    %get3A_3 = arith.constant 0 : index
    %get3A_4 = vector.load %arg2[%get3A_2, %get3A_3] : memref<400x16xf32, #tpu.memory_space<vmem>>, vector<400x16xf32>
    %get3A_5 = arith.constant 0 : index
    %get3A_6 = arith.constant 0 : index
    %get3A_7 = vector.load %arg4[%get3A_5, %get3A_6] : memref<16x128xf32, #tpu.memory_space<vmem>>, vector<16x128xf32>
    %dot_general3A = arith.constant dense<0.000000e+00> : vector<400x128xf32>
    %dot_general3A_8 = tpu.matmul %get3A_4, %get3A_7, %dot_general3A {dimension_numbers = #tpu.dot_dimension_numbers<[1], [0], [0], [1], [0, 0, 1, 1], [], []>, precision = #tpu.contract_precision<fp32>, transpose_lhs_hint = false} : vector<400x16xf32>, vector<16x128xf32>, vector<400x128xf32> -> vector<400x128xf32>
    %slice3A = vector.extract_strided_slice %get3A_1 {offsets = [0, 0], sizes = [1024, 1], strides = [1, 1]} : vector<1024x128xf32> to vector<1024x1xf32>
    %convert_element_type3A = arith.fptosi %slice3A : vector<1024x1xf32> to vector<1024x1xi32>
    %iota3A = tpu.iota {dimensions = array<i32: 1>} : vector<1024x400xi32>
    %eq3A = vector.broadcast %convert_element_type3A : vector<1024x1xi32> to vector<1024x400xi32>
    %eq3A_9 = arith.cmpi eq, %eq3A, %iota3A : vector<1024x400xi32>
    %convert_element_type3A_10 = arith.extui %eq3A_9 : vector<1024x400xi1> to vector<1024x400xi32>
    %convert_element_type3A_11 = arith.sitofp %convert_element_type3A_10 : vector<1024x400xi32> to vector<1024x400xf32>
    %get3A_12 = arith.constant 0 : index
    %get3A_13 = arith.constant 0 : index
    %get3A_14 = vector.load %arg3[%get3A_12, %get3A_13] : memref<128x128xf32, #tpu.memory_space<vmem>>, vector<128x128xf32>
    %dot_general3A_15 = arith.constant dense<0.000000e+00> : vector<1024x128xf32>
    %dot_general3A_16 = tpu.matmul %get3A_1, %get3A_14, %dot_general3A_15 {dimension_numbers = #tpu.dot_dimension_numbers<[1], [0], [0], [1], [0, 0, 1, 1], [], []>, precision = #tpu.contract_precision<fp32>, transpose_lhs_hint = false} : vector<1024x128xf32>, vector<128x128xf32>, vector<1024x128xf32> -> vector<1024x128xf32>
    %dot_general3A_17 = arith.constant dense<0.000000e+00> : vector<1024x128xf32>
    %dot_general3A_18 = tpu.matmul %convert_element_type3A_11, %dot_general3A_8, %dot_general3A_17 {dimension_numbers = #tpu.dot_dimension_numbers<[1], [0], [0], [1], [0, 0, 1, 1], [], []>, precision = #tpu.contract_precision<fp32>, transpose_lhs_hint = false} : vector<1024x400xf32>, vector<400x128xf32>, vector<1024x128xf32> -> vector<1024x128xf32>
    %add3A = arith.addf %dot_general3A_16, %dot_general3A_18 : vector<1024x128xf32>
    %mul3A = arith.constant 1024 : i32
    %mul3A_19 = arith.muli %arg0, %mul3A : i32
    %iota3A_20 = tpu.iota {dimensions = array<i32: 0>} : vector<1024x1xi32>
    %add3A_21 = vector.broadcast %mul3A_19 : i32 to vector<1024x1xi32>
    %add3A_22 = arith.addi %add3A_21, %iota3A_20 : vector<1024x1xi32>
    %lt3A = arith.constant 10000 : i32
    %lt3A_23 = vector.broadcast %lt3A : i32 to vector<1024x1xi32>
    %lt3A_24 = arith.cmpi slt, %add3A_22, %lt3A_23 : vector<1024x1xi32>
    %jit3A = arith.constant 0.000000e+00 : f32
    %broadcast_in_dim3A = vector.shape_cast %lt3A_24 : vector<1024x1xi1> to vector<1024x1xi1>
    %broadcast_in_dim3A_25 = vector.broadcast %broadcast_in_dim3A : vector<1024x1xi1> to vector<1024x128xi1>
    %broadcast_in_dim3A_26 = vector.broadcast %jit3A : f32 to vector<1024x128xf32>
    %select_n3A = arith.select %broadcast_in_dim3A_25, %add3A, %broadcast_in_dim3A_26 : vector<1024x128xi1>, vector<1024x128xf32>
    %swap3A = arith.constant 0 : index
    %swap3A_27 = arith.constant 0 : index
    %swap3A_28 = vector.load %arg5[%swap3A, %swap3A_27] : memref<1024x128xf32, #tpu.memory_space<vmem>>, vector<1024x128xf32>
    tpu.vector_store %arg5[%swap3A, %swap3A_27], %select_n3A {strides = array<i32>} : memref<1024x128xf32, #tpu.memory_space<vmem>>, vector<1024x128xf32>,
    return
  }
  func.func @transform_0(%arg0: i32) -> (i32, i32) {
    %c0_i32 = arith.constant 0 : i32
    %c0_i32_0 = arith.constant 0 : i32
    return %arg0, %c0_i32 : i32, i32
  }
  func.func @transform_1(%arg0: i32) -> (i32, i32) {
    %c0_i32 = arith.constant 0 : i32
    %c0_i32_0 = arith.constant 0 : i32
    %c0_i32_1 = arith.constant 0 : i32
    return %c0_i32, %c0_i32_0 : i32, i32
  }
  func.func @transform_2(%arg0: i32) -> (i32, i32) {
    %c0_i32 = arith.constant 0 : i32
    %c0_i32_0 = arith.constant 0 : i32
    %c0_i32_1 = arith.constant 0 : i32
    return %c0_i32, %c0_i32_0 : i32, i32
  }
  func.func @transform_3(%arg0: i32) -> (i32, i32) {
    %c0_i32 = arith.constant 0 : i32
    %c0_i32_0 = arith.constant 0 : i32
    %c0_i32_1 = arith.constant 0 : i32
    return %c0_i32, %c0_i32_0 : i32, i32
  }
  func.func @transform_4(%arg0: i32) -> (i32, i32) {
    %c0_i32 = arith.constant 0 : i32
    %c0_i32_0 = arith.constant 0 : i32
    return %arg0, %c0_i32 : i32, i32
  }
}

module attributes {stable_mosaic.version = 14 : i64} {
  func.func @_conv_body(%arg0: i32, %arg1: memref<1024x128xf32, #tpu.memory_space<vmem>>, %arg2: memref<2x1024x128xf32, #tpu.memory_space<vmem>>, %arg3: memref<1x128xf32, #tpu.memory_space<vmem>>, %arg4: memref<128x128xf32, #tpu.memory_space<vmem>>, %arg5: memref<1x128xf32, #tpu.memory_space<vmem>>, %arg6: memref<1x128xf32, #tpu.memory_space<vmem>>, %arg7: memref<1x128xf32, #tpu.memory_space<vmem>>, %arg8: memref<128x128xf32, #tpu.memory_space<vmem>>, %arg9: memref<1024x128xf32, #tpu.memory_space<vmem>>) attributes {dimension_semantics = [#tpu.dimension_semantics<arbitrary>], iteration_bounds = array<i64: 10>, scalar_prefetch = 0 : i64, scratch_operands = 0 : i64, tpu.core_type = #tpu.core_type<tc>, window_params = [{transform_indices = @transform_0, window_bounds = array<i64: 1024, 128>}, {transform_indices = @transform_1, window_bounds = array<i64: 2, 1024, 128>}, {pipeline_mode = #tpu.pipeline_mode<synchronous>, transform_indices = @transform_2, window_bounds = array<i64: 1, 128>}, {pipeline_mode = #tpu.pipeline_mode<synchronous>, transform_indices = @transform_3, window_bounds = array<i64: 128, 128>}, {pipeline_mode = #tpu.pipeline_mode<synchronous>, transform_indices = @transform_4, window_bounds = array<i64: 1, 128>}, {pipeline_mode = #tpu.pipeline_mode<synchronous>, transform_indices = @transform_5, window_bounds = array<i64: 1, 128>}, {pipeline_mode = #tpu.pipeline_mode<synchronous>, transform_indices = @transform_6, window_bounds = array<i64: 1, 128>}, {pipeline_mode = #tpu.pipeline_mode<synchronous>, transform_indices = @transform_7, window_bounds = array<i64: 128, 128>}, {transform_indices = @transform_8, window_bounds = array<i64: 1024, 128>}]} {
    %get3A = arith.constant 0 : index
    %get3A_0 = arith.constant 0 : index
    %get3A_1 = vector.load %arg1[%get3A, %get3A_0] : memref<1024x128xf32, #tpu.memory_space<vmem>>, vector<1024x128xf32>
    %get3A_2 = arith.constant 0 : index
    %get3A_3 = arith.constant 0 : index
    %get3A_4 = arith.constant 0 : index
    %get3A_5 = vector.load %arg2[%get3A_2, %get3A_3, %get3A_4] : memref<2x1024x128xf32, #tpu.memory_space<vmem>>, vector<1x1024x128xf32>
    %get3A_6 = vector.shape_cast %get3A_5 : vector<1x1024x128xf32> to vector<1024x128xf32>
    %add3A = arith.addf %get3A_1, %get3A_6 : vector<1024x128xf32>
    %get3A_7 = arith.constant 1 : index
    %get3A_8 = arith.constant 0 : index
    %get3A_9 = arith.constant 0 : index
    %get3A_10 = vector.load %arg2[%get3A_7, %get3A_8, %get3A_9] : memref<2x1024x128xf32, #tpu.memory_space<vmem>>, vector<1x1024x128xf32>
    %get3A_11 = vector.shape_cast %get3A_10 : vector<1x1024x128xf32> to vector<1024x128xf32>
    %add3A_12 = arith.addf %add3A, %get3A_11 : vector<1024x128xf32>
    %get3A_13 = arith.constant 0 : index
    %get3A_14 = arith.constant 0 : index
    %get3A_15 = vector.load %arg3[%get3A_13, %get3A_14] : memref<1x128xf32, #tpu.memory_space<vmem>>, vector<1x128xf32>
    %add3A_16 = vector.broadcast %get3A_15 : vector<1x128xf32> to vector<1024x128xf32>
    %add3A_17 = arith.addf %add3A_12, %add3A_16 : vector<1024x128xf32>
    %max3A = arith.constant 0.000000e+00 : f32
    %max3A_18 = vector.broadcast %max3A : f32 to vector<1024x128xf32>
    %max3A_19 = arith.maximumf %add3A_17, %max3A_18 : vector<1024x128xf32>
    %get3A_20 = arith.constant 0 : index
    %get3A_21 = arith.constant 0 : index
    %get3A_22 = vector.load %arg4[%get3A_20, %get3A_21] : memref<128x128xf32, #tpu.memory_space<vmem>>, vector<128x128xf32>
    %dot_general3A = arith.constant dense<0.000000e+00> : vector<1024x128xf32>
    %dot_general3A_23 = tpu.matmul %max3A_19, %get3A_22, %dot_general3A {dimension_numbers = #tpu.dot_dimension_numbers<[1], [0], [0], [1], [0, 0, 1, 1], [], []>, precision = #tpu.contract_precision<fp32>, transpose_lhs_hint = false} : vector<1024x128xf32>, vector<128x128xf32>, vector<1024x128xf32> -> vector<1024x128xf32>
    %get3A_24 = arith.constant 0 : index
    %get3A_25 = arith.constant 0 : index
    %get3A_26 = vector.load %arg5[%get3A_24, %get3A_25] : memref<1x128xf32, #tpu.memory_space<vmem>>, vector<1x128xf32>
    %add3A_27 = vector.broadcast %get3A_26 : vector<1x128xf32> to vector<1024x128xf32>
    %add3A_28 = arith.addf %dot_general3A_23, %add3A_27 : vector<1024x128xf32>
    %get3A_29 = arith.constant 0 : index
    %get3A_30 = arith.constant 0 : index
    %get3A_31 = vector.load %arg6[%get3A_29, %get3A_30] : memref<1x128xf32, #tpu.memory_space<vmem>>, vector<1x128xf32>
    %get3A_32 = arith.constant 0 : index
    %get3A_33 = arith.constant 0 : index
    %get3A_34 = vector.load %arg7[%get3A_32, %get3A_33] : memref<1x128xf32, #tpu.memory_space<vmem>>, vector<1x128xf32>
    %reduce_sum3A = arith.constant dense<0.000000e+00> : vector<1024xf32>
    %reduce_sum3A_35 = vector.multi_reduction <add>, %add3A_28, %reduce_sum3A [1] : vector<1024x128xf32> to vector<1024xf32>
    %broadcast_in_dim3A = vector.shape_cast %reduce_sum3A_35 : vector<1024xf32> to vector<1024x1xf32>
    %div3A = arith.constant 1.280000e+02 : f32
    %div3A_36 = vector.broadcast %div3A : f32 to vector<1024x1xf32>
    %div3A_37 = arith.divf %broadcast_in_dim3A, %div3A_36 : vector<1024x1xf32>
    %sub3A = vector.broadcast %div3A_37 : vector<1024x1xf32> to vector<1024x128xf32>
    %sub3A_38 = arith.subf %add3A_28, %sub3A : vector<1024x128xf32>
    %integer_pow3A = arith.mulf %sub3A_38, %sub3A_38 : vector<1024x128xf32>
    %reduce_sum3A_39 = arith.constant dense<0.000000e+00> : vector<1024xf32>
    %reduce_sum3A_40 = vector.multi_reduction <add>, %integer_pow3A, %reduce_sum3A_39 [1] : vector<1024x128xf32> to vector<1024xf32>
    %broadcast_in_dim3A_41 = vector.shape_cast %reduce_sum3A_40 : vector<1024xf32> to vector<1024x1xf32>
    %div3A_42 = arith.constant 1.280000e+02 : f32
    %div3A_43 = vector.broadcast %div3A_42 : f32 to vector<1024x1xf32>
    %div3A_44 = arith.divf %broadcast_in_dim3A_41, %div3A_43 : vector<1024x1xf32>
    %sub3A_45 = vector.broadcast %div3A_37 : vector<1024x1xf32> to vector<1024x128xf32>
    %sub3A_46 = arith.subf %add3A_28, %sub3A_45 : vector<1024x128xf32>
    %add3A_47 = arith.constant 9.99999974E-6 : f32
    %add3A_48 = vector.broadcast %add3A_47 : f32 to vector<1024x1xf32>
    %add3A_49 = arith.addf %div3A_44, %add3A_48 : vector<1024x1xf32>
    %sqrt3A = math.sqrt %add3A_49 : vector<1024x1xf32>
    %div3A_50 = vector.broadcast %sqrt3A : vector<1024x1xf32> to vector<1024x128xf32>
    %div3A_51 = arith.divf %sub3A_46, %div3A_50 : vector<1024x128xf32>
    %mul3A = vector.broadcast %get3A_31 : vector<1x128xf32> to vector<1024x128xf32>
    %mul3A_52 = arith.mulf %div3A_51, %mul3A : vector<1024x128xf32>
    %add3A_53 = vector.broadcast %get3A_34 : vector<1x128xf32> to vector<1024x128xf32>
    %add3A_54 = arith.addf %mul3A_52, %add3A_53 : vector<1024x128xf32>
    %max3A_55 = arith.constant 0.000000e+00 : f32
    %max3A_56 = vector.broadcast %max3A_55 : f32 to vector<1024x128xf32>
    %max3A_57 = arith.maximumf %add3A_54, %max3A_56 : vector<1024x128xf32>
    %get3A_58 = arith.constant 0 : index
    %get3A_59 = arith.constant 0 : index
    %get3A_60 = vector.load %arg8[%get3A_58, %get3A_59] : memref<128x128xf32, #tpu.memory_space<vmem>>, vector<128x128xf32>
    %dot_general3A_61 = arith.constant dense<0.000000e+00> : vector<1024x128xf32>
    %dot_general3A_62 = tpu.matmul %max3A_57, %get3A_60, %dot_general3A_61 {dimension_numbers = #tpu.dot_dimension_numbers<[1], [0], [0], [1], [0, 0, 1, 1], [], []>, precision = #tpu.contract_precision<fp32>, transpose_lhs_hint = false} : vector<1024x128xf32>, vector<128x128xf32>, vector<1024x128xf32> -> vector<1024x128xf32>
    %mul3A_63 = arith.constant 1024 : i32
    %mul3A_64 = arith.muli %arg0, %mul3A_63 : i32
    %iota3A = tpu.iota {dimensions = array<i32: 0>} : vector<1024x1xi32>
    %add3A_65 = vector.broadcast %mul3A_64 : i32 to vector<1024x1xi32>
    %add3A_66 = arith.addi %add3A_65, %iota3A : vector<1024x1xi32>
    %lt3A = arith.constant 10000 : i32
    %lt3A_67 = vector.broadcast %lt3A : i32 to vector<1024x1xi32>
    %lt3A_68 = arith.cmpi slt, %add3A_66, %lt3A_67 : vector<1024x1xi32>
    %jit3A = arith.constant 0.000000e+00 : f32
    %broadcast_in_dim3A_69 = vector.shape_cast %lt3A_68 : vector<1024x1xi1> to vector<1024x1xi1>
    %broadcast_in_dim3A_70 = vector.broadcast %broadcast_in_dim3A_69 : vector<1024x1xi1> to vector<1024x128xi1>
    %broadcast_in_dim3A_71 = vector.broadcast %jit3A : f32 to vector<1024x128xf32>
    %select_n3A = arith.select %broadcast_in_dim3A_70, %dot_general3A_62, %broadcast_in_dim3A_71 : vector<1024x128xi1>, vector<1024x128xf32>
    %swap3A = arith.constant 0 : index
    %swap3A_72 = arith.constant 0 : index
    %swap3A_73 = vector.load %arg9[%swap3A, %swap3A_72] : memref<1024x128xf32, #tpu.memory_space<vmem>>, vector<1024x128xf32>
    tpu.vector_store %arg9[%swap3A, %swap3A_72], %select_n3A {strides = array<i32>} : memref<1024x128xf32, #tpu.memory_space<vmem>>, vector<1024x128xf32>,
    return
  }
  func.func @transform_0(%arg0: i32) -> (i32, i32) {
    %c0_i32 = arith.constant 0 : i32
    %c0_i32_0 = arith.constant 0 : i32
    return %arg0, %c0_i32 : i32, i32
  }
  func.func @transform_1(%arg0: i32) -> (i32, i32, i32) {
    %c0_i32 = arith.constant 0 : i32
    %c0_i32_0 = arith.constant 0 : i32
    %c0_i32_1 = arith.constant 0 : i32
    return %c0_i32, %arg0, %c0_i32_0 : i32, i32, i32
  }
  func.func @transform_2(%arg0: i32) -> (i32, i32) {
    %c0_i32 = arith.constant 0 : i32
    %c0_i32_0 = arith.constant 0 : i32
    %c0_i32_1 = arith.constant 0 : i32
    return %c0_i32, %c0_i32_0 : i32, i32
  }
  func.func @transform_3(%arg0: i32) -> (i32, i32) {
    %c0_i32 = arith.constant 0 : i32
    %c0_i32_0 = arith.constant 0 : i32
    %c0_i32_1 = arith.constant 0 : i32
    return %c0_i32, %c0_i32_0 : i32, i32
  }
  func.func @transform_4(%arg0: i32) -> (i32, i32) {
    %c0_i32 = arith.constant 0 : i32
    %c0_i32_0 = arith.constant 0 : i32
    %c0_i32_1 = arith.constant 0 : i32
    return %c0_i32, %c0_i32_0 : i32, i32
  }
  func.func @transform_5(%arg0: i32) -> (i32, i32) {
    %c0_i32 = arith.constant 0 : i32
    %c0_i32_0 = arith.constant 0 : i32
    %c0_i32_1 = arith.constant 0 : i32
    return %c0_i32, %c0_i32_0 : i32, i32
  }
  func.func @transform_6(%arg0: i32) -> (i32, i32) {
    %c0_i32 = arith.constant 0 : i32
    %c0_i32_0 = arith.constant 0 : i32
    %c0_i32_1 = arith.constant 0 : i32
    return %c0_i32, %c0_i32_0 : i32, i32
  }
  func.func @transform_7(%arg0: i32) -> (i32, i32) {
    %c0_i32 = arith.constant 0 : i32
    %c0_i32_0 = arith.constant 0 : i32
    %c0_i32_1 = arith.constant 0 : i32
    return %c0_i32, %c0_i32_0 : i32, i32
  }
  func.func @transform_8(%arg0: i32) -> (i32, i32) {
    %c0_i32 = arith.constant 0 : i32
    %c0_i32_0 = arith.constant 0 : i32
    return %arg0, %c0_i32 : i32, i32
  }
}

module attributes {stable_mosaic.version = 14 : i64} {
  func.func @_conv_gate_body(%arg0: i32, %arg1: memref<1024x128xf32, #tpu.memory_space<vmem>>, %arg2: memref<2x1024x128xf32, #tpu.memory_space<vmem>>, %arg3: memref<1024x1xi32, #tpu.memory_space<vmem>>, %arg4: memref<1x128xf32, #tpu.memory_space<vmem>>, %arg5: memref<128x128xf32, #tpu.memory_space<vmem>>, %arg6: memref<1x128xf32, #tpu.memory_space<vmem>>, %arg7: memref<1x128xf32, #tpu.memory_space<vmem>>, %arg8: memref<1x128xf32, #tpu.memory_space<vmem>>, %arg9: memref<128x128xf32, #tpu.memory_space<vmem>>, %arg10: memref<1x128xf32, #tpu.memory_space<vmem>>, %arg11: memref<128x1xf32, #tpu.memory_space<vmem>>, %arg12: memref<1x1xf32, #tpu.memory_space<vmem>>, %arg13: memref<1024x128xf32, #tpu.memory_space<vmem>>, %arg14: memref<1024x1xf32, #tpu.memory_space<vmem>>, %arg15: memref<8x64xf32, #tpu.memory_space<vmem>>, %arg16: memref<8x64xf32, #tpu.memory_space<vmem>>) attributes {dimension_semantics = [#tpu.dimension_semantics<arbitrary>], iteration_bounds = array<i64: 10>, scalar_prefetch = 0 : i64, scratch_operands = 1 : i64, tpu.core_type = #tpu.core_type<tc>, window_params = [{transform_indices = @transform_0, window_bounds = array<i64: 1024, 128>}, {transform_indices = @transform_1, window_bounds = array<i64: 2, 1024, 128>}, {transform_indices = @transform_2, window_bounds = array<i64: 1024, 1>}, {pipeline_mode = #tpu.pipeline_mode<synchronous>, transform_indices = @transform_3, window_bounds = array<i64: 1, 128>}, {pipeline_mode = #tpu.pipeline_mode<synchronous>, transform_indices = @transform_4, window_bounds = array<i64: 128, 128>}, {pipeline_mode = #tpu.pipeline_mode<synchronous>, transform_indices = @transform_5, window_bounds = array<i64: 1, 128>}, {pipeline_mode = #tpu.pipeline_mode<synchronous>, transform_indices = @transform_6, window_bounds = array<i64: 1, 128>}, {pipeline_mode = #tpu.pipeline_mode<synchronous>, transform_indices = @transform_7, window_bounds = array<i64: 1, 128>}, {pipeline_mode = #tpu.pipeline_mode<synchronous>, transform_indices = @transform_8, window_bounds = array<i64: 128, 128>}, {pipeline_mode = #tpu.pipeline_mode<synchronous>, transform_indices = @transform_9, window_bounds = array<i64: 1, 128>}, {pipeline_mode = #tpu.pipeline_mode<synchronous>, transform_indices = @transform_10, window_bounds = array<i64: 128, 1>}, {pipeline_mode = #tpu.pipeline_mode<synchronous>, transform_indices = @transform_11, window_bounds = array<i64: 1, 1>}, {transform_indices = @transform_12, window_bounds = array<i64: 1024, 128>}, {transform_indices = @transform_13, window_bounds = array<i64: 1024, 1>}, {pipeline_mode = #tpu.pipeline_mode<synchronous>, transform_indices = @transform_14, window_bounds = array<i64: 8, 64>}]} {
    %get3A = arith.constant 0 : index
    %get3A_0 = arith.constant 0 : index
    %get3A_1 = vector.load %arg1[%get3A, %get3A_0] : memref<1024x128xf32, #tpu.memory_space<vmem>>, vector<1024x128xf32>
    %get3A_2 = arith.constant 0 : index
    %get3A_3 = arith.constant 0 : index
    %get3A_4 = arith.constant 0 : index
    %get3A_5 = vector.load %arg2[%get3A_2, %get3A_3, %get3A_4] : memref<2x1024x128xf32, #tpu.memory_space<vmem>>, vector<1x1024x128xf32>
    %get3A_6 = vector.shape_cast %get3A_5 : vector<1x1024x128xf32> to vector<1024x128xf32>
    %add3A = arith.addf %get3A_1, %get3A_6 : vector<1024x128xf32>
    %get3A_7 = arith.constant 1 : index
    %get3A_8 = arith.constant 0 : index
    %get3A_9 = arith.constant 0 : index
    %get3A_10 = vector.load %arg2[%get3A_7, %get3A_8, %get3A_9] : memref<2x1024x128xf32, #tpu.memory_space<vmem>>, vector<1x1024x128xf32>
    %get3A_11 = vector.shape_cast %get3A_10 : vector<1x1024x128xf32> to vector<1024x128xf32>
    %add3A_12 = arith.addf %add3A, %get3A_11 : vector<1024x128xf32>
    %get3A_13 = arith.constant 0 : index
    %get3A_14 = arith.constant 0 : index
    %get3A_15 = vector.load %arg4[%get3A_13, %get3A_14] : memref<1x128xf32, #tpu.memory_space<vmem>>, vector<1x128xf32>
    %add3A_16 = vector.broadcast %get3A_15 : vector<1x128xf32> to vector<1024x128xf32>
    %add3A_17 = arith.addf %add3A_12, %add3A_16 : vector<1024x128xf32>
    %max3A = arith.constant 0.000000e+00 : f32
    %max3A_18 = vector.broadcast %max3A : f32 to vector<1024x128xf32>
    %max3A_19 = arith.maximumf %add3A_17, %max3A_18 : vector<1024x128xf32>
    %get3A_20 = arith.constant 0 : index
    %get3A_21 = arith.constant 0 : index
    %get3A_22 = vector.load %arg5[%get3A_20, %get3A_21] : memref<128x128xf32, #tpu.memory_space<vmem>>, vector<128x128xf32>
    %dot_general3A = arith.constant dense<0.000000e+00> : vector<1024x128xf32>
    %dot_general3A_23 = tpu.matmul %max3A_19, %get3A_22, %dot_general3A {dimension_numbers = #tpu.dot_dimension_numbers<[1], [0], [0], [1], [0, 0, 1, 1], [], []>, precision = #tpu.contract_precision<fp32>, transpose_lhs_hint = false} : vector<1024x128xf32>, vector<128x128xf32>, vector<1024x128xf32> -> vector<1024x128xf32>
    %get3A_24 = arith.constant 0 : index
    %get3A_25 = arith.constant 0 : index
    %get3A_26 = vector.load %arg6[%get3A_24, %get3A_25] : memref<1x128xf32, #tpu.memory_space<vmem>>, vector<1x128xf32>
    %add3A_27 = vector.broadcast %get3A_26 : vector<1x128xf32> to vector<1024x128xf32>
    %add3A_28 = arith.addf %dot_general3A_23, %add3A_27 : vector<1024x128xf32>
    %get3A_29 = arith.constant 0 : index
    %get3A_30 = arith.constant 0 : index
    %get3A_31 = vector.load %arg7[%get3A_29, %get3A_30] : memref<1x128xf32, #tpu.memory_space<vmem>>, vector<1x128xf32>
    %get3A_32 = arith.constant 0 : index
    %get3A_33 = arith.constant 0 : index
    %get3A_34 = vector.load %arg8[%get3A_32, %get3A_33] : memref<1x128xf32, #tpu.memory_space<vmem>>, vector<1x128xf32>
    %reduce_sum3A = arith.constant dense<0.000000e+00> : vector<1024xf32>
    %reduce_sum3A_35 = vector.multi_reduction <add>, %add3A_28, %reduce_sum3A [1] : vector<1024x128xf32> to vector<1024xf32>
    %broadcast_in_dim3A = vector.shape_cast %reduce_sum3A_35 : vector<1024xf32> to vector<1024x1xf32>
    %div3A = arith.constant 1.280000e+02 : f32
    %div3A_36 = vector.broadcast %div3A : f32 to vector<1024x1xf32>
    %div3A_37 = arith.divf %broadcast_in_dim3A, %div3A_36 : vector<1024x1xf32>
    %sub3A = vector.broadcast %div3A_37 : vector<1024x1xf32> to vector<1024x128xf32>
    %sub3A_38 = arith.subf %add3A_28, %sub3A : vector<1024x128xf32>
    %integer_pow3A = arith.mulf %sub3A_38, %sub3A_38 : vector<1024x128xf32>
    %reduce_sum3A_39 = arith.constant dense<0.000000e+00> : vector<1024xf32>
    %reduce_sum3A_40 = vector.multi_reduction <add>, %integer_pow3A, %reduce_sum3A_39 [1] : vector<1024x128xf32> to vector<1024xf32>
    %broadcast_in_dim3A_41 = vector.shape_cast %reduce_sum3A_40 : vector<1024xf32> to vector<1024x1xf32>
    %div3A_42 = arith.constant 1.280000e+02 : f32
    %div3A_43 = vector.broadcast %div3A_42 : f32 to vector<1024x1xf32>
    %div3A_44 = arith.divf %broadcast_in_dim3A_41, %div3A_43 : vector<1024x1xf32>
    %sub3A_45 = vector.broadcast %div3A_37 : vector<1024x1xf32> to vector<1024x128xf32>
    %sub3A_46 = arith.subf %add3A_28, %sub3A_45 : vector<1024x128xf32>
    %add3A_47 = arith.constant 9.99999974E-6 : f32
    %add3A_48 = vector.broadcast %add3A_47 : f32 to vector<1024x1xf32>
    %add3A_49 = arith.addf %div3A_44, %add3A_48 : vector<1024x1xf32>
    %sqrt3A = math.sqrt %add3A_49 : vector<1024x1xf32>
    %div3A_50 = vector.broadcast %sqrt3A : vector<1024x1xf32> to vector<1024x128xf32>
    %div3A_51 = arith.divf %sub3A_46, %div3A_50 : vector<1024x128xf32>
    %mul3A = vector.broadcast %get3A_31 : vector<1x128xf32> to vector<1024x128xf32>
    %mul3A_52 = arith.mulf %div3A_51, %mul3A : vector<1024x128xf32>
    %add3A_53 = vector.broadcast %get3A_34 : vector<1x128xf32> to vector<1024x128xf32>
    %add3A_54 = arith.addf %mul3A_52, %add3A_53 : vector<1024x128xf32>
    %max3A_55 = arith.constant 0.000000e+00 : f32
    %max3A_56 = vector.broadcast %max3A_55 : f32 to vector<1024x128xf32>
    %max3A_57 = arith.maximumf %add3A_54, %max3A_56 : vector<1024x128xf32>
    %mul3A_58 = arith.constant 1024 : i32
    %mul3A_59 = arith.muli %arg0, %mul3A_58 : i32
    %iota3A = tpu.iota {dimensions = array<i32: 0>} : vector<1024x1xi32>
    %add3A_60 = vector.broadcast %mul3A_59 : i32 to vector<1024x1xi32>
    %add3A_61 = arith.addi %add3A_60, %iota3A : vector<1024x1xi32>
    %lt3A = arith.constant 10000 : i32
    %lt3A_62 = vector.broadcast %lt3A : i32 to vector<1024x1xi32>
    %lt3A_63 = arith.cmpi slt, %add3A_61, %lt3A_62 : vector<1024x1xi32>
    %jit3A = arith.constant 0.000000e+00 : f32
    %broadcast_in_dim3A_64 = vector.shape_cast %lt3A_63 : vector<1024x1xi1> to vector<1024x1xi1>
    %broadcast_in_dim3A_65 = vector.broadcast %broadcast_in_dim3A_64 : vector<1024x1xi1> to vector<1024x128xi1>
    %broadcast_in_dim3A_66 = vector.broadcast %jit3A : f32 to vector<1024x128xf32>
    %select_n3A = arith.select %broadcast_in_dim3A_65, %max3A_57, %broadcast_in_dim3A_66 : vector<1024x128xi1>, vector<1024x128xf32>
    %swap3A = arith.constant 0 : index
    %swap3A_67 = arith.constant 0 : index
    %swap3A_68 = vector.load %arg13[%swap3A, %swap3A_67] : memref<1024x128xf32, #tpu.memory_space<vmem>>, vector<1024x128xf32>
    tpu.vector_store %arg13[%swap3A, %swap3A_67], %select_n3A {strides = array<i32>} : memref<1024x128xf32, #tpu.memory_space<vmem>>, vector<1024x128xf32>,
    %get3A_69 = arith.constant 0 : index
    %get3A_70 = arith.constant 0 : index
    %get3A_71 = vector.load %arg9[%get3A_69, %get3A_70] : memref<128x128xf32, #tpu.memory_space<vmem>>, vector<128x128xf32>
    %dot_general3A_72 = arith.constant dense<0.000000e+00> : vector<1024x128xf32>
    %dot_general3A_73 = tpu.matmul %select_n3A, %get3A_71, %dot_general3A_72 {dimension_numbers = #tpu.dot_dimension_numbers<[1], [0], [0], [1], [0, 0, 1, 1], [], []>, precision = #tpu.contract_precision<fp32>, transpose_lhs_hint = false} : vector<1024x128xf32>, vector<128x128xf32>, vector<1024x128xf32> -> vector<1024x128xf32>
    %get3A_74 = arith.constant 0 : index
    %get3A_75 = arith.constant 0 : index
    %get3A_76 = vector.load %arg10[%get3A_74, %get3A_75] : memref<1x128xf32, #tpu.memory_space<vmem>>, vector<1x128xf32>
    %add3A_77 = vector.broadcast %get3A_76 : vector<1x128xf32> to vector<1024x128xf32>
    %add3A_78 = arith.addf %dot_general3A_73, %add3A_77 : vector<1024x128xf32>
    %max3A_79 = arith.constant 0.000000e+00 : f32
    %max3A_80 = vector.broadcast %max3A_79 : f32 to vector<1024x128xf32>
    %max3A_81 = arith.maximumf %add3A_78, %max3A_80 : vector<1024x128xf32>
    %get3A_82 = arith.constant 0 : index
    %get3A_83 = arith.constant 0 : index
    %get3A_84 = vector.load %arg11[%get3A_82, %get3A_83] : memref<128x1xf32, #tpu.memory_space<vmem>>, vector<128x1xf32>
    %dot_general3A_85 = arith.constant dense<0.000000e+00> : vector<1024x1xf32>
    %dot_general3A_86 = tpu.matmul %max3A_81, %get3A_84, %dot_general3A_85 {dimension_numbers = #tpu.dot_dimension_numbers<[1], [0], [0], [1], [0, 0, 1, 1], [], []>, precision = #tpu.contract_precision<fp32>, transpose_lhs_hint = false} : vector<1024x128xf32>, vector<128x1xf32>, vector<1024x1xf32> -> vector<1024x1xf32>
    %get3A_87 = arith.constant 0 : index
    %get3A_88 = arith.constant 0 : index
    %get3A_89 = vector.load %arg12[%get3A_87, %get3A_88] : memref<1x1xf32, #tpu.memory_space<vmem>>, vector<1x1xf32>
    %add3A_90 = vector.broadcast %get3A_89 : vector<1x1xf32> to vector<1024x1xf32>
    %add3A_91 = arith.addf %dot_general3A_86, %add3A_90 : vector<1024x1xf32>
    %mul3A_92 = arith.constant 1024 : i32
    %mul3A_93 = arith.muli %arg0, %mul3A_92 : i32
    %iota3A_94 = tpu.iota {dimensions = array<i32: 0>} : vector<1024x1xi32>
    %add3A_95 = vector.broadcast %mul3A_93 : i32 to vector<1024x1xi32>
    %add3A_96 = arith.addi %add3A_95, %iota3A_94 : vector<1024x1xi32>
    %lt3A_97 = arith.constant 10000 : i32
    %lt3A_98 = vector.broadcast %lt3A_97 : i32 to vector<1024x1xi32>
    %lt3A_99 = arith.cmpi slt, %add3A_96, %lt3A_98 : vector<1024x1xi32>
    %jit3A_100 = arith.constant 0.000000e+00 : f32
    %broadcast_in_dim3A_101 = vector.broadcast %jit3A_100 : f32 to vector<1024x1xf32>
    %select_n3A_102 = arith.select %lt3A_99, %add3A_91, %broadcast_in_dim3A_101 : vector<1024x1xi1>, vector<1024x1xf32>
    %swap3A_103 = arith.constant 0 : index
    %swap3A_104 = arith.constant 0 : index
    %swap3A_105 = vector.load %arg14[%swap3A_103, %swap3A_104] : memref<1024x1xf32, #tpu.memory_space<vmem>>, vector<1024x1xf32>
    tpu.vector_store %arg14[%swap3A_103, %swap3A_104], %select_n3A_102 {strides = array<i32>} : memref<1024x1xf32, #tpu.memory_space<vmem>>, vector<1024x1xf32>,
    %get3A_106 = arith.constant 0 : index
    %get3A_107 = arith.constant 0 : index
    %get3A_108 = vector.load %arg3[%get3A_106, %get3A_107] : memref<1024x1xi32, #tpu.memory_space<vmem>>, vector<1024x1xi32>
    %iota3A_109 = tpu.iota {dimensions = array<i32: 1>} : vector<1024x64xi32>
    %eq3A = vector.broadcast %get3A_108 : vector<1024x1xi32> to vector<1024x64xi32>
    %eq3A_110 = arith.cmpi eq, %eq3A, %iota3A_109 : vector<1024x64xi32>
    %jit3A_111 = arith.constant -1.000000e+30 : f32
    %broadcast_in_dim3A_112 = vector.shape_cast %select_n3A_102 : vector<1024x1xf32> to vector<1024x1xf32>
    %broadcast_in_dim3A_113 = vector.broadcast %broadcast_in_dim3A_112 : vector<1024x1xf32> to vector<1024x64xf32>
    %broadcast_in_dim3A_114 = vector.broadcast %jit3A_111 : f32 to vector<1024x64xf32>
    %select_n3A_115 = arith.select %eq3A_110, %broadcast_in_dim3A_113, %broadcast_in_dim3A_114 : vector<1024x64xi1>, vector<1024x64xf32>
    %reduce_max3A = arith.constant dense<0xFF800000> : vector<64xf32>
    %reduce_max3A_116 = vector.multi_reduction <maximumf>, %select_n3A_115, %reduce_max3A [0] : vector<1024x64xf32> to vector<64xf32>
    %broadcast_in_dim3A_117 = vector.shape_cast %reduce_max3A_116 : vector<64xf32> to vector<1x64xf32>
    %eq3A_118 = arith.constant 0 : i32
    %eq3A_119 = arith.cmpi eq, %arg0, %eq3A_118 : i32
    %convert_element_type3A = arith.extui %eq3A_119 : i1 to i32
    %cond3A = arith.constant 0 : i32
    %cond3A_120 = arith.cmpi ne, %convert_element_type3A, %cond3A : i32
    scf.if %cond3A_120 {
      %broadcast_in_dim3A_135 = arith.constant -1.000000e+30 : f32
      %broadcast_in_dim3A_136 = vector.broadcast %broadcast_in_dim3A_135 : f32 to vector<8x64xf32>
      %swap3A_137 = arith.constant 0 : index
      %swap3A_138 = arith.constant 0 : index
      %swap3A_139 = vector.load %arg16[%swap3A_137, %swap3A_138] : memref<8x64xf32, #tpu.memory_space<vmem>>, vector<8x64xf32>
      tpu.vector_store %arg16[%swap3A_137, %swap3A_138], %broadcast_in_dim3A_136 {strides = array<i32>} : memref<8x64xf32, #tpu.memory_space<vmem>>, vector<8x64xf32>,
    } else {
    }
    %get3A_121 = arith.constant 0 : index
    %get3A_122 = arith.constant 0 : index
    %get3A_123 = vector.load %arg16[%get3A_121, %get3A_122] : memref<8x64xf32, #tpu.memory_space<vmem>>, vector<8x64xf32>
    %broadcast_in_dim3A_124 = vector.shape_cast %broadcast_in_dim3A_117 : vector<1x64xf32> to vector<1x64xf32>
    %broadcast_in_dim3A_125 = vector.broadcast %broadcast_in_dim3A_124 : vector<1x64xf32> to vector<8x64xf32>
    %max3A_126 = arith.maximumf %get3A_123, %broadcast_in_dim3A_125 : vector<8x64xf32>
    %swap3A_127 = arith.constant 0 : index
    %swap3A_128 = arith.constant 0 : index
    %swap3A_129 = vector.load %arg16[%swap3A_127, %swap3A_128] : memref<8x64xf32, #tpu.memory_space<vmem>>, vector<8x64xf32>
    tpu.vector_store %arg16[%swap3A_127, %swap3A_128], %max3A_126 {strides = array<i32>} : memref<8x64xf32, #tpu.memory_space<vmem>>, vector<8x64xf32>,
    %eq3A_130 = arith.constant 9 : i32
    %eq3A_131 = arith.cmpi eq, %arg0, %eq3A_130 : i32
    %convert_element_type3A_132 = arith.extui %eq3A_131 : i1 to i32
    %cond3A_133 = arith.constant 0 : i32
    %cond3A_134 = arith.cmpi ne, %convert_element_type3A_132, %cond3A_133 : i32
    scf.if %cond3A_134 {
      %get3A_135 = arith.constant 0 : index
      %get3A_136 = arith.constant 0 : index
      %get3A_137 = vector.load %arg16[%get3A_135, %get3A_136] : memref<8x64xf32, #tpu.memory_space<vmem>>, vector<8x64xf32>
      %swap3A_138 = arith.constant 0 : index
      %swap3A_139 = arith.constant 0 : index
      %swap3A_140 = vector.load %arg15[%swap3A_138, %swap3A_139] : memref<8x64xf32, #tpu.memory_space<vmem>>, vector<8x64xf32>
      tpu.vector_store %arg15[%swap3A_138, %swap3A_139], %get3A_137 {strides = array<i32>} : memref<8x64xf32, #tpu.memory_space<vmem>>, vector<8x64xf32>,
    } else {
    }
    return
  }
  func.func @transform_0(%arg0: i32) -> (i32, i32) {
    %c0_i32 = arith.constant 0 : i32
    %c0_i32_0 = arith.constant 0 : i32
    return %arg0, %c0_i32 : i32, i32
  }
  func.func @transform_1(%arg0: i32) -> (i32, i32, i32) {
    %c0_i32 = arith.constant 0 : i32
    %c0_i32_0 = arith.constant 0 : i32
    %c0_i32_1 = arith.constant 0 : i32
    return %c0_i32, %arg0, %c0_i32_0 : i32, i32, i32
  }
  func.func @transform_2(%arg0: i32) -> (i32, i32) {
    %c0_i32 = arith.constant 0 : i32
    %c0_i32_0 = arith.constant 0 : i32
    return %arg0, %c0_i32 : i32, i32
  }
  func.func @transform_3(%arg0: i32) -> (i32, i32) {
    %c0_i32 = arith.constant 0 : i32
    %c0_i32_0 = arith.constant 0 : i32
    %c0_i32_1 = arith.constant 0 : i32
    return %c0_i32, %c0_i32_0 : i32, i32
  }
  func.func @transform_4(%arg0: i32) -> (i32, i32) {
    %c0_i32 = arith.constant 0 : i32
    %c0_i32_0 = arith.constant 0 : i32
    %c0_i32_1 = arith.constant 0 : i32
    return %c0_i32, %c0_i32_0 : i32, i32
  }
  func.func @transform_5(%arg0: i32) -> (i32, i32) {
    %c0_i32 = arith.constant 0 : i32
    %c0_i32_0 = arith.constant 0 : i32
    %c0_i32_1 = arith.constant 0 : i32
    return %c0_i32, %c0_i32_0 : i32, i32
  }
  func.func @transform_6(%arg0: i32) -> (i32, i32) {
    %c0_i32 = arith.constant 0 : i32
    %c0_i32_0 = arith.constant 0 : i32
    %c0_i32_1 = arith.constant 0 : i32
    return %c0_i32, %c0_i32_0 : i32, i32
  }
  func.func @transform_7(%arg0: i32) -> (i32, i32) {
    %c0_i32 = arith.constant 0 : i32
    %c0_i32_0 = arith.constant 0 : i32
    %c0_i32_1 = arith.constant 0 : i32
    return %c0_i32, %c0_i32_0 : i32, i32
  }
  func.func @transform_8(%arg0: i32) -> (i32, i32) {
    %c0_i32 = arith.constant 0 : i32
    %c0_i32_0 = arith.constant 0 : i32
    %c0_i32_1 = arith.constant 0 : i32
    return %c0_i32, %c0_i32_0 : i32, i32
  }
  func.func @transform_9(%arg0: i32) -> (i32, i32) {
    %c0_i32 = arith.constant 0 : i32
    %c0_i32_0 = arith.constant 0 : i32
    %c0_i32_1 = arith.constant 0 : i32
    return %c0_i32, %c0_i32_0 : i32, i32
  }
  func.func @transform_10(%arg0: i32) -> (i32, i32) {
    %c0_i32 = arith.constant 0 : i32
    %c0_i32_0 = arith.constant 0 : i32
    %c0_i32_1 = arith.constant 0 : i32
    return %c0_i32, %c0_i32_0 : i32, i32
  }
  func.func @transform_11(%arg0: i32) -> (i32, i32) {
    %c0_i32 = arith.constant 0 : i32
    %c0_i32_0 = arith.constant 0 : i32
    %c0_i32_1 = arith.constant 0 : i32
    return %c0_i32, %c0_i32_0 : i32, i32
  }
  func.func @transform_12(%arg0: i32) -> (i32, i32) {
    %c0_i32 = arith.constant 0 : i32
    %c0_i32_0 = arith.constant 0 : i32
    return %arg0, %c0_i32 : i32, i32
  }
  func.func @transform_13(%arg0: i32) -> (i32, i32) {
    %c0_i32 = arith.constant 0 : i32
    %c0_i32_0 = arith.constant 0 : i32
    return %arg0, %c0_i32 : i32, i32
  }
  func.func @transform_14(%arg0: i32) -> (i32, i32) {
    %c0_i32 = arith.constant 0 : i32
    %c0_i32_0 = arith.constant 0 : i32
    %c0_i32_1 = arith.constant 0 : i32
    return %c0_i32, %c0_i32_0 : i32, i32
  }
}

module attributes {stable_mosaic.version = 14 : i64} {
  func.func @_pool_body(%arg0: i32, %arg1: memref<1024x128xf32, #tpu.memory_space<vmem>>, %arg2: memref<1024x1xf32, #tpu.memory_space<vmem>>, %arg3: memref<8x64xf32, #tpu.memory_space<vmem>>, %arg4: memref<1024x1xi32, #tpu.memory_space<vmem>>, %arg5: memref<128x128xf32, #tpu.memory_space<vmem>>, %arg6: memref<1x128xf32, #tpu.memory_space<vmem>>, %arg7: memref<128x2xf32, #tpu.memory_space<vmem>>, %arg8: memref<1x2xf32, #tpu.memory_space<vmem>>, %arg9: memref<64x2xf32, #tpu.memory_space<vmem>>, %arg10: memref<64x128xf32, #tpu.memory_space<vmem>>, %arg11: memref<64x1xf32, #tpu.memory_space<vmem>>) attributes {dimension_semantics = [#tpu.dimension_semantics<arbitrary>], iteration_bounds = array<i64: 10>, scalar_prefetch = 0 : i64, scratch_operands = 2 : i64, tpu.core_type = #tpu.core_type<tc>, window_params = [{transform_indices = @transform_0, window_bounds = array<i64: 1024, 128>}, {transform_indices = @transform_1, window_bounds = array<i64: 1024, 1>}, {pipeline_mode = #tpu.pipeline_mode<synchronous>, transform_indices = @transform_2, window_bounds = array<i64: 8, 64>}, {transform_indices = @transform_3, window_bounds = array<i64: 1024, 1>}, {pipeline_mode = #tpu.pipeline_mode<synchronous>, transform_indices = @transform_4, window_bounds = array<i64: 128, 128>}, {pipeline_mode = #tpu.pipeline_mode<synchronous>, transform_indices = @transform_5, window_bounds = array<i64: 1, 128>}, {pipeline_mode = #tpu.pipeline_mode<synchronous>, transform_indices = @transform_6, window_bounds = array<i64: 128, 2>}, {pipeline_mode = #tpu.pipeline_mode<synchronous>, transform_indices = @transform_7, window_bounds = array<i64: 1, 2>}, {pipeline_mode = #tpu.pipeline_mode<synchronous>, transform_indices = @transform_8, window_bounds = array<i64: 64, 2>}]} {
    %eq3A = arith.constant 0 : i32
    %eq3A_0 = arith.cmpi eq, %arg0, %eq3A : i32
    %convert_element_type3A = arith.extui %eq3A_0 : i1 to i32
    %cond3A = arith.constant 0 : i32
    %cond3A_1 = arith.cmpi ne, %convert_element_type3A, %cond3A : i32
    scf.if %cond3A_1 {
      %broadcast_in_dim3A_41 = arith.constant 0.000000e+00 : f32
      %broadcast_in_dim3A_42 = vector.broadcast %broadcast_in_dim3A_41 : f32 to vector<64x128xf32>
      %swap3A_43 = arith.constant 0 : index
      %swap3A_44 = arith.constant 0 : index
      %swap3A_45 = vector.load %arg10[%swap3A_43, %swap3A_44] : memref<64x128xf32, #tpu.memory_space<vmem>>, vector<64x128xf32>
      tpu.vector_store %arg10[%swap3A_43, %swap3A_44], %broadcast_in_dim3A_42 {strides = array<i32>} : memref<64x128xf32, #tpu.memory_space<vmem>>, vector<64x128xf32>,
      %broadcast_in_dim3A_46 = arith.constant 0.000000e+00 : f32
      %broadcast_in_dim3A_47 = vector.broadcast %broadcast_in_dim3A_46 : f32 to vector<64x1xf32>
      %swap3A_48 = arith.constant 0 : index
      %swap3A_49 = arith.constant 0 : index
      %swap3A_50 = vector.load %arg11[%swap3A_48, %swap3A_49] : memref<64x1xf32, #tpu.memory_space<vmem>>, vector<64x1xf32>
      tpu.vector_store %arg11[%swap3A_48, %swap3A_49], %broadcast_in_dim3A_47 {strides = array<i32>} : memref<64x1xf32, #tpu.memory_space<vmem>>, vector<64x1xf32>,
    } else {
    }
    %get3A = arith.constant 0 : index
    %get3A_2 = arith.constant 0 : index
    %get3A_3 = vector.load %arg4[%get3A, %get3A_2] : memref<1024x1xi32, #tpu.memory_space<vmem>>, vector<1024x1xi32>
    %iota3A = tpu.iota {dimensions = array<i32: 1>} : vector<1024x64xi32>
    %eq3A_4 = vector.broadcast %get3A_3 : vector<1024x1xi32> to vector<1024x64xi32>
    %eq3A_5 = arith.cmpi eq, %eq3A_4, %iota3A : vector<1024x64xi32>
    %convert_element_type3A_6 = arith.extui %eq3A_5 : vector<1024x64xi1> to vector<1024x64xi32>
    %convert_element_type3A_7 = arith.sitofp %convert_element_type3A_6 : vector<1024x64xi32> to vector<1024x64xf32>
    %get3A_8 = arith.constant 0 : index
    %get3A_9 = arith.constant 0 : index
    %get3A_10 = vector.load %arg3[%get3A_8, %get3A_9] : memref<8x64xf32, #tpu.memory_space<vmem>>, vector<1x64xf32>
    %mul3A = vector.broadcast %get3A_10 : vector<1x64xf32> to vector<1024x64xf32>
    %mul3A_11 = arith.mulf %convert_element_type3A_7, %mul3A : vector<1024x64xf32>
    %reduce_sum3A = arith.constant dense<0.000000e+00> : vector<1024xf32>
    %reduce_sum3A_12 = vector.multi_reduction <add>, %mul3A_11, %reduce_sum3A [1] : vector<1024x64xf32> to vector<1024xf32>
    %broadcast_in_dim3A = vector.shape_cast %reduce_sum3A_12 : vector<1024xf32> to vector<1024x1xf32>
    %get3A_13 = arith.constant 0 : index
    %get3A_14 = arith.constant 0 : index
    %get3A_15 = vector.load %arg2[%get3A_13, %get3A_14] : memref<1024x1xf32, #tpu.memory_space<vmem>>, vector<1024x1xf32>
    %sub3A = arith.subf %get3A_15, %broadcast_in_dim3A : vector<1024x1xf32>
    %exp3A = math.exp %sub3A : vector<1024x1xf32>
    %get3A_16 = arith.constant 0 : index
    %get3A_17 = arith.constant 0 : index
    %get3A_18 = vector.load %arg1[%get3A_16, %get3A_17] : memref<1024x128xf32, #tpu.memory_space<vmem>>, vector<1024x128xf32>
    %mul3A_19 = vector.broadcast %exp3A : vector<1024x1xf32> to vector<1024x128xf32>
    %mul3A_20 = arith.mulf %mul3A_19, %get3A_18 : vector<1024x128xf32>
    %get3A_21 = arith.constant 0 : index
    %get3A_22 = arith.constant 0 : index
    %get3A_23 = vector.load %arg10[%get3A_21, %get3A_22] : memref<64x128xf32, #tpu.memory_space<vmem>>, vector<64x128xf32>
    %dot_general3A = arith.constant dense<0.000000e+00> : vector<64x128xf32>
    %dot_general3A_24 = tpu.matmul %convert_element_type3A_7, %mul3A_20, %dot_general3A {dimension_numbers = #tpu.dot_dimension_numbers<[0], [0], [1], [1], [0, 1, 1, 1], [], []>, precision = #tpu.contract_precision<fp32>, transpose_lhs_hint = false} : vector<1024x64xf32>, vector<1024x128xf32>, vector<64x128xf32> -> vector<64x128xf32>
    %add3A = arith.addf %get3A_23, %dot_general3A_24 : vector<64x128xf32>
    %swap3A = arith.constant 0 : index
    %swap3A_25 = arith.constant 0 : index
    %swap3A_26 = vector.load %arg10[%swap3A, %swap3A_25] : memref<64x128xf32, #tpu.memory_space<vmem>>, vector<64x128xf32>
    tpu.vector_store %arg10[%swap3A, %swap3A_25], %add3A {strides = array<i32>} : memref<64x128xf32, #tpu.memory_space<vmem>>, vector<64x128xf32>,
    %get3A_27 = arith.constant 0 : index
    %get3A_28 = arith.constant 0 : index
    %get3A_29 = vector.load %arg11[%get3A_27, %get3A_28] : memref<64x1xf32, #tpu.memory_space<vmem>>, vector<64x1xf32>
    %dot_general3A_30 = arith.constant dense<0.000000e+00> : vector<64x1xf32>
    %dot_general3A_31 = tpu.matmul %convert_element_type3A_7, %exp3A, %dot_general3A_30 {dimension_numbers = #tpu.dot_dimension_numbers<[0], [0], [1], [1], [0, 1, 1, 1], [], []>, precision = #tpu.contract_precision<fp32>, transpose_lhs_hint = false} : vector<1024x64xf32>, vector<1024x1xf32>, vector<64x1xf32> -> vector<64x1xf32>
    %add3A_32 = arith.addf %get3A_29, %dot_general3A_31 : vector<64x1xf32>
    %swap3A_33 = arith.constant 0 : index
    %swap3A_34 = arith.constant 0 : index
    %swap3A_35 = vector.load %arg11[%swap3A_33, %swap3A_34] : memref<64x1xf32, #tpu.memory_space<vmem>>, vector<64x1xf32>
    tpu.vector_store %arg11[%swap3A_33, %swap3A_34], %add3A_32 {strides = array<i32>} : memref<64x1xf32, #tpu.memory_space<vmem>>, vector<64x1xf32>,
    %eq3A_36 = arith.constant 9 : i32
    %eq3A_37 = arith.cmpi eq, %arg0, %eq3A_36 : i32
    %convert_element_type3A_38 = arith.extui %eq3A_37 : i1 to i32
    %cond3A_39 = arith.constant 0 : i32
    %cond3A_40 = arith.cmpi ne, %convert_element_type3A_38, %cond3A_39 : i32
    scf.if %cond3A_40 {
      %get3A_41 = arith.constant 0 : index
      %get3A_42 = arith.constant 0 : index
      %get3A_43 = vector.load %arg10[%get3A_41, %get3A_42] : memref<64x128xf32, #tpu.memory_space<vmem>>, vector<64x128xf32>
      %get3A_44 = arith.constant 0 : index
      %get3A_45 = arith.constant 0 : index
      %get3A_46 = vector.load %arg11[%get3A_44, %get3A_45] : memref<64x1xf32, #tpu.memory_space<vmem>>, vector<64x1xf32>
      %add3A_47 = arith.constant 1.000000e-16 : f32
      %add3A_48 = vector.broadcast %add3A_47 : f32 to vector<64x1xf32>
      %add3A_49 = arith.addf %get3A_46, %add3A_48 : vector<64x1xf32>
      %div3A = vector.broadcast %add3A_49 : vector<64x1xf32> to vector<64x128xf32>
      %div3A_50 = arith.divf %get3A_43, %div3A : vector<64x128xf32>
      %get3A_51 = arith.constant 0 : index
      %get3A_52 = arith.constant 0 : index
      %get3A_53 = vector.load %arg5[%get3A_51, %get3A_52] : memref<128x128xf32, #tpu.memory_space<vmem>>, vector<128x128xf32>
      %dot_general3A_54 = arith.constant dense<0.000000e+00> : vector<64x128xf32>
      %dot_general3A_55 = tpu.matmul %div3A_50, %get3A_53, %dot_general3A_54 {dimension_numbers = #tpu.dot_dimension_numbers<[1], [0], [0], [1], [0, 0, 1, 1], [], []>, precision = #tpu.contract_precision<fp32>, transpose_lhs_hint = false} : vector<64x128xf32>, vector<128x128xf32>, vector<64x128xf32> -> vector<64x128xf32>
      %get3A_56 = arith.constant 0 : index
      %get3A_57 = arith.constant 0 : index
      %get3A_58 = vector.load %arg6[%get3A_56, %get3A_57] : memref<1x128xf32, #tpu.memory_space<vmem>>, vector<1x128xf32>
      %add3A_59 = vector.broadcast %get3A_58 : vector<1x128xf32> to vector<64x128xf32>
      %add3A_60 = arith.addf %dot_general3A_55, %add3A_59 : vector<64x128xf32>
      %max3A = arith.constant 0.000000e+00 : f32
      %max3A_61 = vector.broadcast %max3A : f32 to vector<64x128xf32>
      %max3A_62 = arith.maximumf %add3A_60, %max3A_61 : vector<64x128xf32>
      %get3A_63 = arith.constant 0 : index
      %get3A_64 = arith.constant 0 : index
      %get3A_65 = vector.load %arg7[%get3A_63, %get3A_64] : memref<128x2xf32, #tpu.memory_space<vmem>>, vector<128x2xf32>
      %dot_general3A_66 = arith.constant dense<0.000000e+00> : vector<64x2xf32>
      %dot_general3A_67 = tpu.matmul %max3A_62, %get3A_65, %dot_general3A_66 {dimension_numbers = #tpu.dot_dimension_numbers<[1], [0], [0], [1], [0, 0, 1, 1], [], []>, precision = #tpu.contract_precision<fp32>, transpose_lhs_hint = false} : vector<64x128xf32>, vector<128x2xf32>, vector<64x2xf32> -> vector<64x2xf32>
      %get3A_68 = arith.constant 0 : index
      %get3A_69 = arith.constant 0 : index
      %get3A_70 = vector.load %arg8[%get3A_68, %get3A_69] : memref<1x2xf32, #tpu.memory_space<vmem>>, vector<1x2xf32>
      %add3A_71 = vector.broadcast %get3A_70 : vector<1x2xf32> to vector<64x2xf32>
      %add3A_72 = arith.addf %dot_general3A_67, %add3A_71 : vector<64x2xf32>
      %swap3A_73 = arith.constant 0 : index
      %swap3A_74 = arith.constant 0 : index
      %swap3A_75 = vector.load %arg9[%swap3A_73, %swap3A_74] : memref<64x2xf32, #tpu.memory_space<vmem>>, vector<64x2xf32>
      tpu.vector_store %arg9[%swap3A_73, %swap3A_74], %add3A_72 {strides = array<i32>} : memref<64x2xf32, #tpu.memory_space<vmem>>, vector<64x2xf32>,
    } else {
    }
    return
  }
  func.func @transform_0(%arg0: i32) -> (i32, i32) {
    %c0_i32 = arith.constant 0 : i32
    %c0_i32_0 = arith.constant 0 : i32
    return %arg0, %c0_i32 : i32, i32
  }
  func.func @transform_1(%arg0: i32) -> (i32, i32) {
    %c0_i32 = arith.constant 0 : i32
    %c0_i32_0 = arith.constant 0 : i32
    return %arg0, %c0_i32 : i32, i32
  }
  func.func @transform_2(%arg0: i32) -> (i32, i32) {
    %c0_i32 = arith.constant 0 : i32
    %c0_i32_0 = arith.constant 0 : i32
    %c0_i32_1 = arith.constant 0 : i32
    return %c0_i32, %c0_i32_0 : i32, i32
  }
  func.func @transform_3(%arg0: i32) -> (i32, i32) {
    %c0_i32 = arith.constant 0 : i32
    %c0_i32_0 = arith.constant 0 : i32
    return %arg0, %c0_i32 : i32, i32
  }
  func.func @transform_4(%arg0: i32) -> (i32, i32) {
    %c0_i32 = arith.constant 0 : i32
    %c0_i32_0 = arith.constant 0 : i32
    %c0_i32_1 = arith.constant 0 : i32
    return %c0_i32, %c0_i32_0 : i32, i32
  }
  func.func @transform_5(%arg0: i32) -> (i32, i32) {
    %c0_i32 = arith.constant 0 : i32
    %c0_i32_0 = arith.constant 0 : i32
    %c0_i32_1 = arith.constant 0 : i32
    return %c0_i32, %c0_i32_0 : i32, i32
  }
  func.func @transform_6(%arg0: i32) -> (i32, i32) {
    %c0_i32 = arith.constant 0 : i32
    %c0_i32_0 = arith.constant 0 : i32
    %c0_i32_1 = arith.constant 0 : i32
    return %c0_i32, %c0_i32_0 : i32, i32
  }
  func.func @transform_7(%arg0: i32) -> (i32, i32) {
    %c0_i32 = arith.constant 0 : i32
    %c0_i32_0 = arith.constant 0 : i32
    %c0_i32_1 = arith.constant 0 : i32
    return %c0_i32, %c0_i32_0 : i32, i32
  }
  func.func @transform_8(%arg0: i32) -> (i32, i32) {
    %c0_i32 = arith.constant 0 : i32
    %c0_i32_0 = arith.constant 0 : i32
    %c0_i32_1 = arith.constant 0 : i32
    return %c0_i32, %c0_i32_0 : i32, i32
  }
}

</mosaic_0001>

<sc_bundles>
// kernel: kernel.11.cloned.1.call-start
scs
__scs_entry_jumppad:
0x0: {  	(pc) =	sbr.rel $0x88, $3  }
0x1: {  	(tag) =	ssettag $0x0;
	lr =	simm.s32 $0x1  }
0x2: {  	[smem:$0x3F89] =	sst lr;
	_ =	strace $0xD0000000  }
0x3: {  	_ = 	snop  }
0x4: {  	_ = 	snop  }
0x5: {  	_ = 	snop  }
0x6: {  	_ = 	snop  }
0x7: {  	_ = 	snop  }
__scs_overlays_trampoline_lowered:
0x8: {  	[smem:$0x3F98] =	sst s0  }
0x9: {  	[smem:$0x3F99] =	sst s1  }
0xa: {  	[smem:$0x3F9A] =	sst s2  }
0xb: {  	[smem:$0x3F9B] =	sst s3  }
0xc: {  	[smem:$0x3F9C] =	sst s4  }
0xd: {  	[smem:$0x3F9D] =	sst s5  }
0xe: {  	[smem:$0x3F9E] =	sst s6  }
0xf: {  	[smem:$0x3F9F] =	sst s7  }
0x10: {  	[smem:$0x3FA0] =	sst s8  }
0x11: {  	[smem:$0x3FA1] =	sst s9;
	s0 =	simm.s32 @!p0 $0x0  }
0x12: {  	s1 =	sld [smem:$0x3F87];
	s0 =	simm.s32 @p0 $0x1  }
0x13: {  	[smem:$0x3FA2] =	sst s0;
	s0 =	simm.s32 @!p1 $0x0  }
0x14: {  	s2 =	sld [smem:$0x3F86];
	s0 =	simm.s32 @p1 $0x1  }
0x15: {  	[smem:$0x3FA3] =	sst s0;
	s0 =	simm.s32 @!p2 $0x0  }
0x16: {  	s3 =	sld [smem:$0x3FDB];
	s0 =	simm.s32 @p2 $0x1  }
0x17: {  	s4 =	simm.s32 $0x1BF5;
	[smem:$0x3FA5] =	sst s0  }
0x18: {  	s0 =	sld [smem:$0x3F88];
	_ =	swait.ge [sflag:s4], $0x0  }
0x19: {  	s7 =	sld [smem:$0x3F89]  }
0x1a: {  	s8 =	sadd.s32 $0xFFFFE003, lr  }
0x1b: {  	s9 =	sadd.s32 $0xFFFFFEF7, lr;
	s5 =	simm.s32 $0xFFFFFFFF;
	p2 =	slt.u32 s8, $0xFFFFF086  }
0x1c: {  	p1 =	slt.u32 s9, $0xF7A;
	s5 =	simm.s32 @!p2 $0x0  }
0x1d: {  	s5 =	simm.s32 @p1 $0x1;
	p0 =	seq.s32 s7, s2  }
0x1e: {  	s7 =	smul.u32 @!p0 $0xF7A, s2;
	p2 =	seq.s32 @!p0 s5, $0x0  }
0x1f: {  	s9 =	smul.u32 $0xF7A, s1;
	s8 =	simm.s32 @!p0 $0x1BF5;
	p2 =	por !p2, p0  }
0x20: {  	[sflag:s8] =	ssyncset.s32 @!p0 $0xFFFFF086;
	s6 =	sadd.s32 @!p0 s3, s7;
	s7 =	simm.s32 @!p0 $0x108  }
0x21: {  	s3 =	sadd.s32 s3, s9;
	s6 =	sadd.s32 @!p0 $0x88, s6;
	s7 =	simm.s32 @p2 $0x1082  }
0x22: {  	[simem:s7], [sflag:s8] =	dma.local @!p0 [hbm:s6], $0xF7A  }
0x23: {  	s9 =	sor.u32 $0xD0000000, s2;
	s6 =	simm.s32 $0x108;
	_ =	swait.ge @!p0 [sflag:s8], $0x0  }
0x24: {  	s3 =	sadd.s32 $0x88, s3;
	s6 =	simm.s32 @!p1 $0x1082;
	[sflag:s4] =	ssyncset.s32 $0xFFFFF086  }
0x25: {  	[simem:s6], [sflag:s4] =	dma.local [hbm:s3], $0xF7A  }
0x26: {  	[smem:$0x3F89] =	sst s1;
	(tag) =	ssettag s2;
	_ =	strace s9  }
0x27: {  	s1 =	sld [smem:$0x3F99]  }
0x28: {  	s2 =	sld [smem:$0x3F9A]  }
0x29: {  	s4 =	sld [smem:$0x3F9C]  }
0x2a: {  	p0 =	seq.s32 s5, $0x0;
	s5 =	sld [smem:$0x3F9D]  }
0x2b: {  	s6 =	sld [smem:$0x3F9E]  }
0x2c: {  	s7 =	sld [smem:$0x3F9F]  }
0x2d: {  	s3 =	simm.s32 $0x108;
	s8 =	sld [smem:$0x3FA0]  }
0x2e: {  	s3 =	simm.s32 @!p0 $0x1082;
	s9 =	sld [smem:$0x3FA1]  }
0x2f: {  	lr =	sadd.s32 s0, s3;
	s0 =	sld [smem:$0x3F98]  }
0x30: {  	s3 =	sld [smem:$0x3F9B]  }
0x31: {  	[smem:$0x3FA4] =	sst s10  }
0x32: {  	s10 =	sld [smem:$0x3FA2];
	_ =	sdelay $0x3  }
0x33: {  	p0 =	seq.s32 s10, $0x1;
	s10 =	sld [smem:$0x3FA4];
	_ =	sdelay $0x3  }
0x34: {  	[smem:$0x3FA4] =	sst s10  }
0x35: {  	s10 =	sld [smem:$0x3FA3];
	_ =	sdelay $0x3  }
0x36: {  	p1 =	seq.s32 s10, $0x1;
	s10 =	sld [smem:$0x3FA4];
	_ =	sdelay $0x3  }
0x37: {  	[smem:$0x3FA4] =	sst s10  }
0x38: {  	s10 =	sld [smem:$0x3FA5]  }
0x39: {  	_ = 	snop;
	(pc) =	sbr.ind lr, $3  }
0x3a: {  	_ = 	snop  }
0x3b: {  	_ = 	snop  }
0x3c: {  	p2 =	seq.s32 s10, $0x1;
	s10 =	sld [smem:$0x3FA4]  }
0x3d: {  	_ =	shalt  }
0x3e: {  	_ =	shalt  }
0x3f: {  	_ =	shalt  }
0x40: {  	_ =	shalt  }
0x41: {  	_ =	shalt  }
0x42: {  	_ =	shalt  }
0x43: {  	_ =	shalt  }
0x44: {  	_ =	shalt  }
0x45: {  	_ =	shalt  }
0x46: {  	_ =	shalt  }
0x47: {  	_ =	shalt  }
0x48: {  	_ =	shalt  }
0x49: {  	_ =	shalt  }
0x4a: {  	_ =	shalt  }
0x4b: {  	_ =	shalt  }
0x4c: {  	_ =	shalt  }
0x4d: {  	_ =	shalt  }
0x4e: {  	_ =	shalt  }
0x4f: {  	_ =	shalt  }
0x50: {  	_ =	shalt  }
0x51: {  	_ =	shalt  }
0x52: {  	_ =	shalt  }
0x53: {  	_ =	shalt  }
0x54: {  	_ =	shalt  }
0x55: {  	_ =	shalt  }
0x56: {  	_ =	shalt  }
0x57: {  	_ =	shalt  }
0x58: {  	_ =	shalt  }
0x59: {  	_ =	shalt  }
0x5a: {  	_ =	shalt  }
0x5b: {  	_ =	shalt  }
0x5c: {  	_ =	shalt  }
0x5d: {  	_ =	shalt  }
0x5e: {  	_ =	shalt  }
0x5f: {  	_ =	shalt  }
0x60: {  	_ =	shalt  }
0x61: {  	_ =	shalt  }
0x62: {  	_ =	shalt  }
0x63: {  	_ =	shalt  }
0x64: {  	_ =	shalt  }
0x65: {  	_ =	shalt  }
0x66: {  	_ =	shalt  }
0x67: {  	_ =	shalt  }
0x68: {  	_ =	shalt  }
0x69: {  	_ =	shalt  }
0x6a: {  	_ =	shalt  }
0x6b: {  	_ =	shalt  }
0x6c: {  	_ =	shalt  }
0x6d: {  	_ =	shalt  }
0x6e: {  	_ =	shalt  }
0x6f: {  	_ =	shalt  }
0x70: {  	_ =	shalt  }
0x71: {  	_ =	shalt  }
0x72: {  	_ =	shalt  }
0x73: {  	_ =	shalt  }
0x74: {  	_ =	shalt  }
0x75: {  	_ =	shalt  }
0x76: {  	_ =	shalt  }
0x77: {  	_ =	shalt  }
0x78: {  	_ =	shalt  }
0x79: {  	_ =	shalt  }
0x7a: {  	_ =	shalt  }
0x7b: {  	_ =	shalt  }
0x7c: {  	_ =	shalt  }
0x7d: {  	_ =	shalt  }
0x7e: {  	_ =	shalt  }
0x7f: {  	_ =	shalt  }
0x80: {  	_ =	shalt  }
0x81: {  	_ =	shalt  }
0x82: {  	_ =	shalt  }
0x83: {  	_ =	shalt  }
0x84: {  	_ =	shalt  }
0x85: {  	_ =	shalt  }
0x86: {  	_ =	shalt  }
0x87: {  	_ =	shalt  }
.Lfunc_end0:
.L_simem_size_0:
called_computation.1_lowered:
.L_overlay_start_0:
0x88: {  	s2 =	sld [smem:$0x3FD9]  }
0x89: {  	s3 =	sld [smem:$0x3FFE];
	_ =	sdelay $0x1  }
0x8a: {  	s1 =	srdreg.scid  }
0x8b: {  	s0 =	sand.u32 $0x1, s1  }
0x8c: {  	s16 =	sshll.u32 s0, $0xA;
	s2 =	sadd.s32 s3, s2  }
0x8d: {  	s2 =	sadd.s32 s2, s16  }
0x8e: {  	[smem:$0x3FB0] =	sst s2  }
0x8f: {  	_ = 	snop  }
0x90: {  	(tm) =	ssettm $0x1  }
0x91: {  	s17 =	sld [smem:$0x3FFB];
	_ =	sdelay $0x3  }
0x92: {  	_ =	strace s17  }
0x93: {  	s2 =	sld [smem:$0x3FFC];
	_ =	sdelay $0x3  }
0x94: {  	_ =	strace s2  }
0x95: {  	s2 =	sld [smem:$0x3FFD];
	_ =	sdelay $0x3  }
0x96: {  	_ =	strace s2  }
0x97: {  	_ =	strace $0x8FFFFFFF  }
0x98: {  	s18 =	sld [smem:$0x3FDB];
	_ =	sdelay $0x1  }
0x99: {  	s19 =	simm.s32 $_scs_section_size  }
0x9a: {  	s4 =	simm.s32 $_size__tile_overlayer_lowered;
	s5 =	simm.s32 $_tile_overlayer_lowered  }
0x9b: {  	s22 =	simm.s32 $0x1BFF;
	s21 =	sshll.u32 s5, $0x1;
	s2 =	sadd.s32 s19, s18  }
0x9c: {  	s6 =	simm.s32 $0x0;
	s20 =	sshll.u32 s4, $0x1;
	s4 =	sadd.s32 s21, s2  }
0x9d: {  	[timem:s6], [sflag:s22] =	dma.local [hbm:s4], s20  }
0x9e: {  	_ =	swait.ge [sflag:s22], s20  }
0x9f: {  	s3 =	ssub.s32 $0x0, s20;
	[sflag:s22] =	ssyncset.done $0x0  }
0xa0: {  	[sflag:s22] =	ssyncadd.s32 s3;
	_ =	sdelay $0x1  }
0xa1: {  	s23 =	simm.s32 $0x1B8B  }
0xa2: {  	_ =	swait.ge [sflag:s23], $0x1  }
0xa3: {  	[sflag:s23] =	ssyncset.done $0x0  }
0xa4: {  	s25 =	simm.s32 $0x1B8E;
	s24 =	sld [smem:$0x3FFE];
	[sflag:s23] =	ssyncadd.s32 $0xFFFFFFFF  }
0xa5: {  	s26 =	simm.s32 $execute0_lowered;
	[smem:$0x3FD2] =	sst s25  }
0xa6: {  	s4 =	sshll.u32 s26, $0x1;
	_ =	strace $0x80000049;
	[dreg:$0x1] =	wrdreg $0xFFFFFFFF  }
0xa7: {  	s28 =	simm.s32 $_size_execute0_lowered;
	s2 =	sadd.s32 s2, s4;
	[dreg:$0x0] =	wrdreg $0x0  }
0xa8: {  	s4 =	sshll.u32 s28, $0x1;
	[dreg:$0x2] =	wrdreg s2  }
0xa9: {  	[dreg:$0x3] =	wrdreg s4  }
0xaa: {  	[dreg:$0x4] =	wrdreg $0xC0  }
0xab: {  	_ =	task [dreg:s6], $0x5FFFF  }
0xac: {  	[dreg:$0x1] =	wrdreg $0xFFFFFFFF  }
0xad: {  	[dreg:$0x0] =	wrdreg $0x60  }
0xae: {  	[dreg:$0x2] =	wrdreg s24  }
0xaf: {  	[dreg:$0x3] =	wrdreg $0x0  }
0xb0: {  	[dreg:$0x4] =	wrdreg $0x9  }
0xb1: {  	_ =	task.clear_ibuf [dreg:s6], $0x5FFFF;
	_ =	strace $0x90000049  }
0xb2: {  	s29 =	simm.s32 $0x9;
	_ =	strace $0x8000004B  }
0xb3: {  	_ =	swait.ge [sflag:s29], $0x1  }
0xb4: {  	[sflag:s29] =	ssyncadd.s32 $0xFFFFFFFF  }
0xb5: {  	_ =	strace $0x9000004B  }
0xb6: {  	_ =	sfence  }
0xb7: {  	s30 =	sld [smem:$0x0];
	_ =	sdelay $0x2  }
0xb8: {  	s31 =	sshll.u32 s1, $0xD;
	s1 =	sshrl.u32 s1, $0x2  }
0xb9: {  	s3 =	sand.u32 $0x4000, s31;
	s1 =	sadd.s32 s1, s30  }
0xba: {  	s0 =	sor.u32 s3, s0;
	s1 =	sshll.u32 s1, $0x11  }
0xbb: {  	s0 =	sor.u32 s1, s0  }
0xbc: {  	s0 =	sadd.s32 $0x8F2B, s0  }
0xbd: {  	[sflag:s0] =	ssyncadd.remote.s32 $0x1  }
0xbe: {  	_ =	sfence.sel $0xFFFF  }
0xbf: {  	[dreg:$0x0] =	wrdreg $0xFFFFFFFF;
	(pc) =	sbr.abs _section_cstart, $3  }
0xc0: {  	[dreg:$0x1] =	wrdreg $0xFFFFFFFF  }
0xc1: {  	_ =	task.clear_ibuf [dreg:s6], $0x2FFFF;
	_ =	strace $0x9FFFFFFF  }
0xc2: {  	(tm) =	ssettm $0x7FFFFFFF  }
0xc3: {  	_ =	shalt  }
tec
execute0_lowered:
.L_overlay_start_1:
0x0: {  	(tag) =	ssettag $0x1  }
0x1: {  	s0 =	srdreg.scid  }
0x2: {  	s1 =	rddreg [dreg:$0x0];
	s16 =	stileid.u32  }
0x3: {  	s2 =	rddreg [dreg:$0x1];
	s3 =	simm.s32 $0x0;
	s13 =	simm.s32 $0x14000  }
0x4: {  	s14 =	simm.s32 $0x5;
	s15 =	simm.s32 $0x80;
	s17 =	simm.s32 $0x16800  }
0x5: {  	s20 =	simm.s32 $0x1A900;
	s21 =	simm.s32 $0x16880;
	s22 =	simm.s32 $0x1  }
0x6: {  	s23 =	simm.s32 $0x3;
	s24 =	simm.s32 $0x2;
	s5 =	smul.u32 $0x2800, s16  }
0x7: {  	s25 =	simm.s32 $0x4;
	s28 =	simm.s32 $0x0;
	s8 =	smul.u32 $0x14000, s16  }
0x8: {  	s0 =	sand.u32 $0x1, s0;
	[smem:$0x7FF] =	sst s3;
	s11 =	smul.u32 $0x50000, s16  }
0x9: {  	s6 =	sadd.s32 $0x4200, s1;
	s26 =	sadd.s32 $0x40200, s1;
	s4 =	smul.u32 $0x28000, s0  }
0xa: {  	s31 =	sshll.u32 s16, $0x6;
	s16 =	simm.s32 $0x16900;
	s7 =	smul.u32 $0x140000, s0  }
0xb: {  	_ =	strace $0x8000004A;
	s0 =	ssub.s32 $0x2, s0;
	[dreg:$0x3] =	wrdreg s26  }
0xc: {  	s18 =	sor.u32 $0x1C05, s31;
	s29 =	sshrl.u32 s0, $0x1;
	s30 =	sshrl.u32 s11, $0x2  }
0xd: {  	s4 =	sadd.s32 s5, s4;
	s5 =	sadd.s32 $0x18200, s1;
	s7 =	sadd.s32 s8, s7  }
0xe: {  	s0 =	ssub.s32 s0, s29;
	s19 =	sadd.s32 s30, s2;
	s9 =	sshrl.u32 s4, $0x3  }
0xf: {  	s8 =	sshrl.u32 s7, $0x3;
	s11 =	smax.u32 s0, $0x1;
	s19 =	sshrl.u32 s19, $0x3  }
0x10: {  	s10 =	sadd.s32 s9, s1;
	s1 =	sadd.s32 s8, s1;
	s9 =	sadd.s32 s6, s9  }
0x11: {  	s8 =	sadd.s32 $0xE200, s10;
	s10 =	sadd.s32 $0x42A00, s1;
	s12 =	sadd.s32 $0x4F0, s9  }
.LBB2_1:
0x12: {  	[tilespmem:s13], [sflag:$0x5] =	stream.linear.gather [hbm4b:s8+s3], $0x2800, $0x38;
	[tilespmem:$0x1E900] =	vst v63  }
0x13: {  	_ =	swait.ge [sflag:s14], $0x2800  }
0x14: {  	[sflag:s14] =	ssyncset.done $0x0  }
0x15: {  	[sflag:s14] =	ssyncadd.s32 $0xFFFFD800  }
0x16: {  	[tilespmem:s16], [sflag:$0x1] =	stream.indirect.gather [hbm4b:s5+s15], $0x80, s13, s15, $0xb8;
	[tilespmem:$0x1E900] =	vst v63  }
0x17: {  	s1 =	simm.s32 $0x0;
	s0 =	rddreg [dreg:$0x3]  }
0x18: {  	[tilespmem:s17], [sflag:$0x3] =	stream.linear.gather [hbm4b:s9+s3], $0x80, $0x38;
	[tilespmem:$0x1E900] =	vst v63  }
0x19: {  	[spmem:s19], [sflag:s18] =	dma.local [hbm:s0], $0x2800  }
0x1a: {  	s0 =	sand.u32 $0x3C00, s1;
	s1 =	simm.s32 $0x80;
	_ =	swait.ge [sflag:s14], $0x2800  }
0x1b: {  	s0 =	sadd.s32 s4, s0;
	s1 =	sand.u32 $0x380, s1;
	[sflag:s14] =	ssyncset.done $0x0  }
0x1c: {  	s0 =	sor.u32 s0, s1;
	[sflag:s14] =	ssyncadd.s32 $0xFFFFD800  }
0x1d: {  	s7 =	simm.s32 $0x14080;
	s0 =	sshrl.u32 s0, $0x3;
	[bflag:$0x0] =	sbarrier.arrive $0xFFFF  }
0x1e: {  	[tilespmem:s20], [sflag:$0x2] =	stream.indirect.gather [hbm4b:s5+s15], $0x80, s7, s15, $0xb8;
	[tilespmem:$0x1E900] =	vst v63  }
0x1f: {  	s0 =	sadd.s32 s6, s0  }
0x20: {  	[tilespmem:s21], [sflag:$0x4] =	stream.linear.gather [hbm4b:s0+s3], $0x80, $0x38;
	[tilespmem:$0x1E900] =	vst v63  }
0x21: {  	_ =	swait.ge [sflag:s22], $0x4000  }
0x22: {  	[sflag:s22] =	ssyncset.done $0x0  }
0x23: {  	[sflag:s22] =	ssyncadd.s32 $0xFFFFC000  }
0x24: {  	_ =	swait.ge [sflag:s23], $0x80  }
0x25: {  	s26 =	simm.s32 $0x100;
	[sflag:s23] =	ssyncset.done $0x0  }
0x26: {  	s7 =	sand.u32 $0x7C00, s26;
	[sflag:s23] =	ssyncadd.s32 $0xFFFFFF80  }
0x27: {  	[spmem:s2] =	stream.indirect.scatter.add.f32 [tilespmem:s16], [sflag:$0x5], $0x80, s17, s15, $0xb8;
	[tilespmem:$0x1E900] =	vst v63  }
0x28: {  	s1 =	sadd.s32 s4, s7;
	s0 =	sand.u32 $0x300, s26;
	_ =	swait.ge [sflag:s14], $0x4000  }
0x29: {  	s0 =	sor.u32 s0, s1;
	[sflag:s14] =	ssyncset.done $0x0  }
0x2a: {  	s26 =	simm.s32 $0x14100;
	s0 =	sshrl.u32 s0, $0x3;
	[sflag:s14] =	ssyncadd.s32 $0xFFFFC000  }
0x2b: {  	[tilespmem:s16], [sflag:$0x1] =	stream.indirect.gather [hbm4b:s5+s15], $0x80, s26, s15, $0xb8;
	[tilespmem:$0x1E900] =	vst v63  }
0x2c: {  	s0 =	sadd.s32 s6, s0  }
0x2d: {  	[tilespmem:s17], [sflag:$0x3] =	stream.linear.gather [hbm4b:s0+s3], $0x80, $0x38;
	[tilespmem:$0x1E900] =	vst v63  }
0x2e: {  	_ =	swait.ge [sflag:s24], $0x4000  }
0x2f: {  	s30 =	simm.s32 $0x200;
	s31 =	simm.s32 $0x300;
	[sflag:s24] =	ssyncset.done $0x0  }
0x30: {  	s29 =	simm.s32 $0x14180;
	s26 =	simm.s32 $0x100;
	[sflag:s24] =	ssyncadd.s32 $0xFFFFC000  }
0x31: {  	s0 =	sand.u32 $0x3C00, s26;
	s26 =	simm.s32 $0x180;
	_ =	swait.ge [sflag:s25], $0x80  }
.LBB2_2:
0x32: {  	s0 =	sadd.s32 s4, s0  }
0x33: {  	s26 =	sand.u32 $0x380, s26;
	[sflag:s25] =	ssyncset.done $0x0;
	s7 =	smov.u32 s31  }
0x34: {  	s1 =	sadd.s32 $0x100, s31;
	s0 =	sor.u32 s0, s26;
	[sflag:s25] =	ssyncadd.s32 $0xFFFFFF80  }
0x35: {  	[spmem:s2] =	stream.indirect.scatter.add.f32 [tilespmem:s20], [sflag:$0x5], $0x80, s21, s15, $0xb8;
	[tilespmem:$0x1E900] =	vst v63  }
0x36: {  	p0 =	sne.s32 s31, $0x2700;
	s0 =	sshrl.u32 s0, $0x3;
	_ =	swait.ge [sflag:s14], $0x4000  }
0x37: {  	[sflag:s14] =	ssyncset.done $0x0  }
0x38: {  	[sflag:s14] =	ssyncadd.s32 $0xFFFFC000  }
0x39: {  	[tilespmem:s20], [sflag:$0x2] =	stream.indirect.gather [hbm4b:s5+s15], $0x80, s29, s15, $0xb8;
	[tilespmem:$0x1E900] =	vst v63  }
0x3a: {  	s0 =	sadd.s32 s6, s0  }
0x3b: {  	[tilespmem:s21], [sflag:$0x4] =	stream.linear.gather [hbm4b:s0+s3], $0x80, $0x38;
	[tilespmem:$0x1E900] =	vst v63  }
0x3c: {  	_ =	swait.ge [sflag:s22], $0x4000  }
0x3d: {  	[sflag:s22] =	ssyncset.done $0x0  }
0x3e: {  	[sflag:s22] =	ssyncadd.s32 $0xFFFFC000  }
0x3f: {  	_ =	swait.ge [sflag:s23], $0x80  }
0x40: {  	[sflag:s23] =	ssyncset.done $0x0  }
0x41: {  	[sflag:s23] =	ssyncadd.s32 $0xFFFFFF80  }
0x42: {  	[spmem:s2] =	stream.indirect.scatter.add.f32 [tilespmem:s16], [sflag:$0x5], $0x80, s17, s15, $0xb8;
	[tilespmem:$0x1E900] =	vst v63  }
0x43: {  	s0 =	sand.u32 $0x7C00, s30;
	_ =	swait.ge [sflag:s14], $0x4000  }
0x44: {  	s26 =	sand.u32 $0x300, s30;
	s0 =	sadd.s32 s4, s0;
	[sflag:s14] =	ssyncset.done $0x0  }
0x45: {  	s30 =	sadd.s32 $0x80, s29;
	s0 =	sor.u32 s26, s0;
	[sflag:s14] =	ssyncadd.s32 $0xFFFFC000  }
0x46: {  	[tilespmem:s16], [sflag:$0x1] =	stream.indirect.gather [hbm4b:s5+s15], $0x80, s30, s15, $0xb8;
	[tilespmem:$0x1E900] =	vst v63  }
0x47: {  	s0 =	sshrl.u32 s0, $0x3;
	s30 =	smov.u32 s7  }
0x48: {  	s0 =	sadd.s32 s6, s0  }
0x49: {  	[tilespmem:s17], [sflag:$0x3] =	stream.linear.gather [hbm4b:s0+s3], $0x80, $0x38;
	[tilespmem:$0x1E900] =	vst v63  }
.Ltmp0:
0x4a: {  	_ = 	snop;
	(pc) =	sbr.rel @p0 .LBB2_2-.Ltmp0, $4  }
0x4b: {  	_ =	swait.ge [sflag:s24], $0x4000  }
0x4c: {  	s31 =	smov.u32 s1;
	[sflag:s24] =	ssyncset.done $0x0  }
0x4d: {  	s29 =	sadd.s32 $0x100, s29;
	s0 =	sadd.s32 $0xFFFFFF00, s30;
	[sflag:s24] =	ssyncadd.s32 $0xFFFFC000  }
0x4e: {  	s26 =	sadd.s32 $0xFFFFFF80, s30;
	s0 =	sand.u32 $0x3C00, s0;
	_ =	swait.ge [sflag:s25], $0x80  }
0x4f: {  	[sflag:s25] =	ssyncset.done $0x0  }
0x50: {  	[sflag:s25] =	ssyncadd.s32 $0xFFFFFF80  }
0x51: {  	[spmem:s2] =	stream.indirect.scatter.add.f32 [tilespmem:s20], [sflag:$0x5], $0x80, s21, s15, $0xb8;
	[tilespmem:$0x1E900] =	vst v63  }
0x52: {  	s0 =	sadd.s32 s4, s0;
	s1 =	sand.u32 $0x380, s26;
	_ =	swait.ge [sflag:s14], $0x4000  }
0x53: {  	s0 =	sor.u32 s0, s1;
	[sflag:s14] =	ssyncset.done $0x0  }
0x54: {  	s0 =	sshrl.u32 s0, $0x3;
	[sflag:s14] =	ssyncadd.s32 $0xFFFFC000  }
0x55: {  	[tilespmem:s20], [sflag:$0x2] =	stream.indirect.gather [hbm4b:s5+s15], $0x80, s29, s15, $0xb8;
	[tilespmem:$0x1E900] =	vst v63  }
0x56: {  	s0 =	sadd.s32 s6, s0  }
0x57: {  	[tilespmem:s21], [sflag:$0x4] =	stream.linear.gather [hbm4b:s0+s3], $0x80, $0x38;
	[tilespmem:$0x1E900] =	vst v63  }
0x58: {  	_ =	swait.ge [sflag:s22], $0x4000  }
0x59: {  	[sflag:s22] =	ssyncset.done $0x0  }
0x5a: {  	[sflag:s22] =	ssyncadd.s32 $0xFFFFC000  }
0x5b: {  	_ =	swait.ge [sflag:s23], $0x80  }
0x5c: {  	[sflag:s23] =	ssyncset.done $0x0  }
0x5d: {  	s26 =	sand.u32 $0x7C00, s30;
	[sflag:s23] =	ssyncadd.s32 $0xFFFFFF80  }
0x5e: {  	[spmem:s2] =	stream.indirect.scatter.add.f32 [tilespmem:s16], [sflag:$0x5], $0x80, s17, s15, $0xb8;
	[tilespmem:$0x1E900] =	vst v63  }
0x5f: {  	s30 =	sand.u32 $0x300, s30;
	s0 =	sadd.s32 s4, s26;
	_ =	swait.ge [sflag:s14], $0x4000  }
0x60: {  	s0 =	sor.u32 s30, s0;
	[sflag:s14] =	ssyncset.done $0x0  }
0x61: {  	s7 =	sadd.s32 $0x80, s29;
	s0 =	sshrl.u32 s0, $0x3;
	[sflag:s14] =	ssyncadd.s32 $0xFFFFC000  }
0x62: {  	[tilespmem:s16], [sflag:$0x1] =	stream.indirect.gather [hbm4b:s5+s15], $0x80, s7, s15, $0xb8;
	[tilespmem:$0x1E900] =	vst v63  }
0x63: {  	s0 =	sadd.s32 s6, s0  }
0x64: {  	[tilespmem:s17], [sflag:$0x3] =	stream.linear.gather [hbm4b:s0+s3], $0x80, $0x38;
	[tilespmem:$0x1E900] =	vst v63  }
0x65: {  	_ =	swait.ge [sflag:s24], $0x4000  }
0x66: {  	[sflag:s24] =	ssyncset.done $0x0  }
0x67: {  	[sflag:s24] =	ssyncadd.s32 $0xFFFFC000  }
0x68: {  	_ =	swait.ge [sflag:s25], $0x80  }
0x69: {  	[sflag:s25] =	ssyncset.done $0x0  }
0x6a: {  	[sflag:s25] =	ssyncadd.s32 $0xFFFFFF80  }
0x6b: {  	[spmem:s2] =	stream.indirect.scatter.add.f32 [tilespmem:s20], [sflag:$0x5], $0x80, s21, s15, $0xb8;
	[tilespmem:$0x1E900] =	vst v63  }
0x6c: {  	_ =	swait.ge [sflag:s14], $0x4000  }
0x6d: {  	[sflag:s14] =	ssyncset.done $0x0  }
0x6e: {  	s31 =	simm.s32 $0x16780;
	[sflag:s14] =	ssyncadd.s32 $0xFFFFC000  }
0x6f: {  	[tilespmem:s20], [sflag:$0x2] =	stream.indirect.gather [hbm4b:s5+s15], $0x80, s31, s15, $0xb8;
	[tilespmem:$0x1E900] =	vst v63  }
0x70: {  	_ = 	snop  }
0x71: {  	[tilespmem:s21], [sflag:$0x4] =	stream.linear.gather [hbm4b:s12+s3], $0x80, $0x38;
	[tilespmem:$0x1E900] =	vst v63  }
0x72: {  	_ =	swait.ge [sflag:s22], $0x4000  }
0x73: {  	[sflag:s22] =	ssyncset.done $0x0  }
0x74: {  	[sflag:s22] =	ssyncadd.s32 $0xFFFFC000  }
0x75: {  	_ =	swait.ge [sflag:s23], $0x80  }
0x76: {  	[sflag:s23] =	ssyncset.done $0x0  }
0x77: {  	[sflag:s23] =	ssyncadd.s32 $0xFFFFFF80  }
0x78: {  	[spmem:s2] =	stream.indirect.scatter.add.f32 [tilespmem:s16], [sflag:$0x5], $0x80, s17, s15, $0xb8;
	[tilespmem:$0x1E900] =	vst v63  }
0x79: {  	_ =	swait.ge [sflag:s14], $0x4000  }
0x7a: {  	[sflag:s14] =	ssyncset.done $0x0  }
0x7b: {  	[sflag:s14] =	ssyncadd.s32 $0xFFFFC000  }
0x7c: {  	_ =	swait.ge [sflag:s24], $0x4000  }
0x7d: {  	[sflag:s24] =	ssyncset.done $0x0  }
0x7e: {  	[sflag:s24] =	ssyncadd.s32 $0xFFFFC000  }
0x7f: {  	_ =	swait.ge [sflag:s25], $0x80  }
0x80: {  	[sflag:s25] =	ssyncset.done $0x0  }
0x81: {  	[sflag:s25] =	ssyncadd.s32 $0xFFFFFF80  }
0x82: {  	[spmem:s2] =	stream.indirect.scatter.add.f32 [tilespmem:s20], [sflag:$0x5], $0x80, s21, s15, $0xb8;
	[tilespmem:$0x1E900] =	vst v63  }
0x83: {  	_ =	swait.ge [sflag:s14], $0x4000  }
0x84: {  	s28 =	sadd.s32 $0x1, s28;
	[sflag:s14] =	ssyncset.done $0x0  }
0x85: {  	p0 =	sne.s32 s28, s11;
	[sflag:s14] =	ssyncadd.s32 $0xFFFFC000  }
.Ltmp1:
0x86: {  	[bflag:$0x0] =	sbarrier.arrive $0xFFFF;
	(pc) =	sbr.rel @p0 .LBB2_1-.Ltmp1, $4  }
0x87: {  	[hbm:s10], [sflag:s18] =	dma.local [spmem:s19], $0x2800  }
0x88: {  	_ =	swait.ge [sflag:s14], $0x2800  }
0x89: {  	[sflag:s14] =	ssyncset.done $0x0  }
0x8a: {  	[sflag:s14] =	ssyncadd.s32 $0xFFFFD800  }
0x8b: {  	_ =	sfence.sel $0x180000  }
0x8c: {  	[bflag:$0x0] =	sbarrier.arrive $0xFFFF  }
0x8d: {  	_ =	strace $0x9000004A  }
0x8e: {  	s0 =	stileid.u32;
	[bflag:$0x2] =	sbarrier.arrive $0xFFFF  }
0x8f: {  	p0 =	sne.s32 s0, $0x0;
	s0 =	rddreg [dreg:$0x2]  }
0x90: {  	s0 =	sadd.s32 @!p0 $0x100000, s0  }
0x91: {  	[sflag:s0] =	ssyncadd.tile.s32 @!p0 $0x1;
	_ =	shalt  }
.Lfunc_end2:
_tile_overlayer_lowered:
.L_overlay_start_2:
0x92: {  	(tag) =	ssettag $0x2  }
0x93: {  	s0 =	rddreg [dreg:$0x0];
	s2 =	stileid.u32  }
0x94: {  	s1 =	rddreg [dreg:$0x1];
	p0 =	sne.s32 s2, $0x0  }
0x95: {  	s3 =	rddreg [dreg:$0x2];
	[bflag:$0x3] =	sbarrier.arrive $0xFFFF;
	s2 =	simm.s32 @!p0 $0x1C05  }
0x96: {  	[timem:s3], [sflag:s2] =	dma.local @!p0 [hbm:s0], s1  }
0x97: {  	s0 =	simm.s32 @!p0 $0x5  }
0x98: {  	_ =	swait.ge @!p0 [sflag:s0], s1  }
0x99: {  	s1 =	ssub.s32 @!p0 $0x0, s1;
	[sflag:s0] =	ssyncset.done @!p0 $0x0  }
0x9a: {  	[sflag:s0] =	ssyncadd.s32 @!p0 s1  }
0x9b: {  	[bflag:$0x3] =	sbarrier.arrive $0xFFFF  }
0x9c: {  	_ =	shalt  }

// kernel: kernel.8.cloned.1.call-start
scs
__scs_entry_jumppad:
0x0: {  	(pc) =	sbr.rel $0x88, $3  }
0x1: {  	(tag) =	ssettag $0x0;
	lr =	simm.s32 $0x1  }
0x2: {  	[smem:$0x3F89] =	sst lr;
	_ =	strace $0xD0000000  }
0x3: {  	_ = 	snop  }
0x4: {  	_ = 	snop  }
0x5: {  	_ = 	snop  }
0x6: {  	_ = 	snop  }
0x7: {  	_ = 	snop  }
__scs_overlays_trampoline_lowered:
0x8: {  	[smem:$0x3F98] =	sst s0  }
0x9: {  	[smem:$0x3F99] =	sst s1  }
0xa: {  	[smem:$0x3F9A] =	sst s2  }
0xb: {  	[smem:$0x3F9B] =	sst s3  }
0xc: {  	[smem:$0x3F9C] =	sst s4  }
0xd: {  	[smem:$0x3F9D] =	sst s5  }
0xe: {  	[smem:$0x3F9E] =	sst s6  }
0xf: {  	[smem:$0x3F9F] =	sst s7  }
0x10: {  	[smem:$0x3FA0] =	sst s8  }
0x11: {  	[smem:$0x3FA1] =	sst s9;
	s0 =	simm.s32 @!p0 $0x0  }
0x12: {  	s1 =	sld [smem:$0x3F87];
	s0 =	simm.s32 @p0 $0x1  }
0x13: {  	[smem:$0x3FA2] =	sst s0;
	s0 =	simm.s32 @!p1 $0x0  }
0x14: {  	s2 =	sld [smem:$0x3F86];
	s0 =	simm.s32 @p1 $0x1  }
0x15: {  	[smem:$0x3FA3] =	sst s0;
	s0 =	simm.s32 @!p2 $0x0  }
0x16: {  	s3 =	sld [smem:$0x3FDB];
	s0 =	simm.s32 @p2 $0x1  }
0x17: {  	s4 =	simm.s32 $0x1BF5;
	[smem:$0x3FA5] =	sst s0  }
0x18: {  	s0 =	sld [smem:$0x3F88];
	_ =	swait.ge [sflag:s4], $0x0  }
0x19: {  	s7 =	sld [smem:$0x3F89]  }
0x1a: {  	s8 =	sadd.s32 $0xFFFFE003, lr  }
0x1b: {  	s9 =	sadd.s32 $0xFFFFFEF7, lr;
	s5 =	simm.s32 $0xFFFFFFFF;
	p2 =	slt.u32 s8, $0xFFFFF086  }
0x1c: {  	p1 =	slt.u32 s9, $0xF7A;
	s5 =	simm.s32 @!p2 $0x0  }
0x1d: {  	s5 =	simm.s32 @p1 $0x1;
	p0 =	seq.s32 s7, s2  }
0x1e: {  	s7 =	smul.u32 @!p0 $0xF7A, s2;
	p2 =	seq.s32 @!p0 s5, $0x0  }
0x1f: {  	s9 =	smul.u32 $0xF7A, s1;
	s8 =	simm.s32 @!p0 $0x1BF5;
	p2 =	por !p2, p0  }
0x20: {  	[sflag:s8] =	ssyncset.s32 @!p0 $0xFFFFF086;
	s6 =	sadd.s32 @!p0 s3, s7;
	s7 =	simm.s32 @!p0 $0x108  }
0x21: {  	s3 =	sadd.s32 s3, s9;
	s6 =	sadd.s32 @!p0 $0x88, s6;
	s7 =	simm.s32 @p2 $0x1082  }
0x22: {  	[simem:s7], [sflag:s8] =	dma.local @!p0 [hbm:s6], $0xF7A  }
0x23: {  	s9 =	sor.u32 $0xD0000000, s2;
	s6 =	simm.s32 $0x108;
	_ =	swait.ge @!p0 [sflag:s8], $0x0  }
0x24: {  	s3 =	sadd.s32 $0x88, s3;
	s6 =	simm.s32 @!p1 $0x1082;
	[sflag:s4] =	ssyncset.s32 $0xFFFFF086  }
0x25: {  	[simem:s6], [sflag:s4] =	dma.local [hbm:s3], $0xF7A  }
0x26: {  	[smem:$0x3F89] =	sst s1;
	(tag) =	ssettag s2;
	_ =	strace s9  }
0x27: {  	s1 =	sld [smem:$0x3F99]  }
0x28: {  	s2 =	sld [smem:$0x3F9A]  }
0x29: {  	s4 =	sld [smem:$0x3F9C]  }
0x2a: {  	p0 =	seq.s32 s5, $0x0;
	s5 =	sld [smem:$0x3F9D]  }
0x2b: {  	s6 =	sld [smem:$0x3F9E]  }
0x2c: {  	s7 =	sld [smem:$0x3F9F]  }
0x2d: {  	s3 =	simm.s32 $0x108;
	s8 =	sld [smem:$0x3FA0]  }
0x2e: {  	s3 =	simm.s32 @!p0 $0x1082;
	s9 =	sld [smem:$0x3FA1]  }
0x2f: {  	lr =	sadd.s32 s0, s3;
	s0 =	sld [smem:$0x3F98]  }
0x30: {  	s3 =	sld [smem:$0x3F9B]  }
0x31: {  	[smem:$0x3FA4] =	sst s10  }
0x32: {  	s10 =	sld [smem:$0x3FA2];
	_ =	sdelay $0x3  }
0x33: {  	p0 =	seq.s32 s10, $0x1;
	s10 =	sld [smem:$0x3FA4];
	_ =	sdelay $0x3  }
0x34: {  	[smem:$0x3FA4] =	sst s10  }
0x35: {  	s10 =	sld [smem:$0x3FA3];
	_ =	sdelay $0x3  }
0x36: {  	p1 =	seq.s32 s10, $0x1;
	s10 =	sld [smem:$0x3FA4];
	_ =	sdelay $0x3  }
0x37: {  	[smem:$0x3FA4] =	sst s10  }
0x38: {  	s10 =	sld [smem:$0x3FA5]  }
0x39: {  	_ = 	snop;
	(pc) =	sbr.ind lr, $3  }
0x3a: {  	_ = 	snop  }
0x3b: {  	_ = 	snop  }
0x3c: {  	p2 =	seq.s32 s10, $0x1;
	s10 =	sld [smem:$0x3FA4]  }
0x3d: {  	_ =	shalt  }
0x3e: {  	_ =	shalt  }
0x3f: {  	_ =	shalt  }
0x40: {  	_ =	shalt  }
0x41: {  	_ =	shalt  }
0x42: {  	_ =	shalt  }
0x43: {  	_ =	shalt  }
0x44: {  	_ =	shalt  }
0x45: {  	_ =	shalt  }
0x46: {  	_ =	shalt  }
0x47: {  	_ =	shalt  }
0x48: {  	_ =	shalt  }
0x49: {  	_ =	shalt  }
0x4a: {  	_ =	shalt  }
0x4b: {  	_ =	shalt  }
0x4c: {  	_ =	shalt  }
0x4d: {  	_ =	shalt  }
0x4e: {  	_ =	shalt  }
0x4f: {  	_ =	shalt  }
0x50: {  	_ =	shalt  }
0x51: {  	_ =	shalt  }
0x52: {  	_ =	shalt  }
0x53: {  	_ =	shalt  }
0x54: {  	_ =	shalt  }
0x55: {  	_ =	shalt  }
0x56: {  	_ =	shalt  }
0x57: {  	_ =	shalt  }
0x58: {  	_ =	shalt  }
0x59: {  	_ =	shalt  }
0x5a: {  	_ =	shalt  }
0x5b: {  	_ =	shalt  }
0x5c: {  	_ =	shalt  }
0x5d: {  	_ =	shalt  }
0x5e: {  	_ =	shalt  }
0x5f: {  	_ =	shalt  }
0x60: {  	_ =	shalt  }
0x61: {  	_ =	shalt  }
0x62: {  	_ =	shalt  }
0x63: {  	_ =	shalt  }
0x64: {  	_ =	shalt  }
0x65: {  	_ =	shalt  }
0x66: {  	_ =	shalt  }
0x67: {  	_ =	shalt  }
0x68: {  	_ =	shalt  }
0x69: {  	_ =	shalt  }
0x6a: {  	_ =	shalt  }
0x6b: {  	_ =	shalt  }
0x6c: {  	_ =	shalt  }
0x6d: {  	_ =	shalt  }
0x6e: {  	_ =	shalt  }
0x6f: {  	_ =	shalt  }
0x70: {  	_ =	shalt  }
0x71: {  	_ =	shalt  }
0x72: {  	_ =	shalt  }
0x73: {  	_ =	shalt  }
0x74: {  	_ =	shalt  }
0x75: {  	_ =	shalt  }
0x76: {  	_ =	shalt  }
0x77: {  	_ =	shalt  }
0x78: {  	_ =	shalt  }
0x79: {  	_ =	shalt  }
0x7a: {  	_ =	shalt  }
0x7b: {  	_ =	shalt  }
0x7c: {  	_ =	shalt  }
0x7d: {  	_ =	shalt  }
0x7e: {  	_ =	shalt  }
0x7f: {  	_ =	shalt  }
0x80: {  	_ =	shalt  }
0x81: {  	_ =	shalt  }
0x82: {  	_ =	shalt  }
0x83: {  	_ =	shalt  }
0x84: {  	_ =	shalt  }
0x85: {  	_ =	shalt  }
0x86: {  	_ =	shalt  }
0x87: {  	_ =	shalt  }
.Lfunc_end0:
.L_simem_size_0:
called_computation_lowered:
.L_overlay_start_0:
0x88: {  	s2 =	sld [smem:$0x3FD9]  }
0x89: {  	s3 =	sld [smem:$0x3FFE];
	_ =	sdelay $0x1  }
0x8a: {  	s1 =	srdreg.scid  }
0x8b: {  	s0 =	sand.u32 $0x1, s1  }
0x8c: {  	s16 =	sshll.u32 s0, $0xA;
	s2 =	sadd.s32 s3, s2  }
0x8d: {  	s2 =	sadd.s32 s2, s16  }
0x8e: {  	[smem:$0x3FB0] =	sst s2  }
0x8f: {  	_ = 	snop  }
0x90: {  	(tm) =	ssettm $0x1  }
0x91: {  	s17 =	sld [smem:$0x3FFB];
	_ =	sdelay $0x3  }
0x92: {  	_ =	strace s17  }
0x93: {  	s2 =	sld [smem:$0x3FFC];
	_ =	sdelay $0x3  }
0x94: {  	_ =	strace s2  }
0x95: {  	s2 =	sld [smem:$0x3FFD];
	_ =	sdelay $0x3  }
0x96: {  	_ =	strace s2  }
0x97: {  	_ =	strace $0x8FFFFFFF  }
0x98: {  	s18 =	sld [smem:$0x3FDB];
	_ =	sdelay $0x1  }
0x99: {  	s19 =	simm.s32 $_scs_section_size  }
0x9a: {  	s4 =	simm.s32 $_size__tile_overlayer_lowered;
	s5 =	simm.s32 $_tile_overlayer_lowered  }
0x9b: {  	s22 =	simm.s32 $0x1BFF;
	s21 =	sshll.u32 s5, $0x1;
	s2 =	sadd.s32 s19, s18  }
0x9c: {  	s6 =	simm.s32 $0x0;
	s20 =	sshll.u32 s4, $0x1;
	s4 =	sadd.s32 s21, s2  }
0x9d: {  	[timem:s6], [sflag:s22] =	dma.local [hbm:s4], s20  }
0x9e: {  	_ =	swait.ge [sflag:s22], s20  }
0x9f: {  	s3 =	ssub.s32 $0x0, s20;
	[sflag:s22] =	ssyncset.done $0x0  }
0xa0: {  	[sflag:s22] =	ssyncadd.s32 s3;
	_ =	sdelay $0x1  }
0xa1: {  	s23 =	simm.s32 $0x1B8B  }
0xa2: {  	_ =	swait.ge [sflag:s23], $0x1  }
0xa3: {  	[sflag:s23] =	ssyncset.done $0x0  }
0xa4: {  	s25 =	simm.s32 $0x1B8E;
	s24 =	sld [smem:$0x3FFE];
	[sflag:s23] =	ssyncadd.s32 $0xFFFFFFFF  }
0xa5: {  	s26 =	simm.s32 $execute0_lowered;
	[smem:$0x3FD2] =	sst s25  }
0xa6: {  	s4 =	sshll.u32 s26, $0x1;
	_ =	strace $0x80000046;
	[dreg:$0x1] =	wrdreg $0xFFFFFFFF  }
0xa7: {  	s28 =	simm.s32 $_size_execute0_lowered;
	s2 =	sadd.s32 s2, s4;
	[dreg:$0x0] =	wrdreg $0x0  }
0xa8: {  	s4 =	sshll.u32 s28, $0x1;
	[dreg:$0x2] =	wrdreg s2  }
0xa9: {  	[dreg:$0x3] =	wrdreg s4  }
0xaa: {  	[dreg:$0x4] =	wrdreg $0xC0  }
0xab: {  	_ =	task [dreg:s6], $0x5FFFF  }
0xac: {  	[dreg:$0x1] =	wrdreg $0xFFFFFFFF  }
0xad: {  	[dreg:$0x0] =	wrdreg $0x60  }
0xae: {  	[dreg:$0x2] =	wrdreg s24  }
0xaf: {  	[dreg:$0x3] =	wrdreg $0x0  }
0xb0: {  	[dreg:$0x4] =	wrdreg $0x9  }
0xb1: {  	_ =	task.clear_ibuf [dreg:s6], $0x5FFFF;
	_ =	strace $0x90000046  }
0xb2: {  	s29 =	simm.s32 $0x9;
	_ =	strace $0x80000048  }
0xb3: {  	_ =	swait.ge [sflag:s29], $0x1  }
0xb4: {  	[sflag:s29] =	ssyncadd.s32 $0xFFFFFFFF  }
0xb5: {  	_ =	strace $0x90000048  }
0xb6: {  	_ =	sfence  }
0xb7: {  	s30 =	sld [smem:$0x0];
	_ =	sdelay $0x2  }
0xb8: {  	s31 =	sshll.u32 s1, $0xD;
	s1 =	sshrl.u32 s1, $0x2  }
0xb9: {  	s3 =	sand.u32 $0x4000, s31;
	s1 =	sadd.s32 s1, s30  }
0xba: {  	s0 =	sor.u32 s3, s0;
	s1 =	sshll.u32 s1, $0x11  }
0xbb: {  	s0 =	sor.u32 s1, s0  }
0xbc: {  	s0 =	sadd.s32 $0x8F2B, s0  }
0xbd: {  	[sflag:s0] =	ssyncadd.remote.s32 $0x1  }
0xbe: {  	_ =	sfence.sel $0xFFFF  }
0xbf: {  	[dreg:$0x0] =	wrdreg $0xFFFFFFFF;
	(pc) =	sbr.abs _section_cstart, $3  }
0xc0: {  	[dreg:$0x1] =	wrdreg $0xFFFFFFFF  }
0xc1: {  	_ =	task.clear_ibuf [dreg:s6], $0x2FFFF;
	_ =	strace $0x9FFFFFFF  }
0xc2: {  	(tm) =	ssettm $0x7FFFFFFF  }
0xc3: {  	_ =	shalt  }
tec
execute0_lowered:
.L_overlay_start_1:
0x0: {  	(tag) =	ssettag $0x1  }
0x1: {  	s0 =	srdreg.scid  }
0x2: {  	s1 =	rddreg [dreg:$0x0];
	s16 =	stileid.u32  }
0x3: {  	s2 =	rddreg [dreg:$0x1];
	s3 =	simm.s32 $0x0;
	s13 =	simm.s32 $0x14000  }
0x4: {  	s14 =	simm.s32 $0x5;
	s15 =	simm.s32 $0x80;
	s17 =	simm.s32 $0x16800  }
0x5: {  	s20 =	simm.s32 $0x1A900;
	s21 =	simm.s32 $0x16880;
	s22 =	simm.s32 $0x1  }
0x6: {  	s23 =	simm.s32 $0x3;
	s24 =	simm.s32 $0x2;
	s5 =	smul.u32 $0x2800, s16  }
0x7: {  	s25 =	simm.s32 $0x4;
	s28 =	simm.s32 $0x0;
	s8 =	smul.u32 $0x14000, s16  }
0x8: {  	s0 =	sand.u32 $0x1, s0;
	[smem:$0x7FF] =	sst s3;
	s11 =	smul.u32 $0x50000, s16  }
0x9: {  	s6 =	sadd.s32 $0x4200, s1;
	s26 =	sadd.s32 $0x40200, s1;
	s4 =	smul.u32 $0x28000, s0  }
0xa: {  	s31 =	sshll.u32 s16, $0x6;
	s16 =	simm.s32 $0x16900;
	s7 =	smul.u32 $0x140000, s0  }
0xb: {  	_ =	strace $0x80000047;
	s0 =	ssub.s32 $0x2, s0;
	[dreg:$0x3] =	wrdreg s26  }
0xc: {  	s18 =	sor.u32 $0x1C05, s31;
	s29 =	sshrl.u32 s0, $0x1;
	s30 =	sshrl.u32 s11, $0x2  }
0xd: {  	s4 =	sadd.s32 s5, s4;
	s5 =	sadd.s32 $0x18200, s1;
	s7 =	sadd.s32 s8, s7  }
0xe: {  	s0 =	ssub.s32 s0, s29;
	s19 =	sadd.s32 s30, s2;
	s9 =	sshrl.u32 s4, $0x3  }
0xf: {  	s8 =	sshrl.u32 s7, $0x3;
	s11 =	smax.u32 s0, $0x1;
	s19 =	sshrl.u32 s19, $0x3  }
0x10: {  	s10 =	sadd.s32 s9, s1;
	s1 =	sadd.s32 s8, s1;
	s9 =	sadd.s32 s6, s9  }
0x11: {  	s8 =	sadd.s32 $0xE200, s10;
	s10 =	sadd.s32 $0x42A00, s1;
	s12 =	sadd.s32 $0x4F0, s9  }
.LBB2_1:
0x12: {  	[tilespmem:s13], [sflag:$0x5] =	stream.linear.gather [hbm4b:s8+s3], $0x2800, $0x38;
	[tilespmem:$0x1E900] =	vst v63  }
0x13: {  	_ =	swait.ge [sflag:s14], $0x2800  }
0x14: {  	[sflag:s14] =	ssyncset.done $0x0  }
0x15: {  	[sflag:s14] =	ssyncadd.s32 $0xFFFFD800  }
0x16: {  	[tilespmem:s16], [sflag:$0x1] =	stream.indirect.gather [hbm4b:s5+s15], $0x80, s13, s15, $0xb8;
	[tilespmem:$0x1E900] =	vst v63  }
0x17: {  	s1 =	simm.s32 $0x0;
	s0 =	rddreg [dreg:$0x3]  }
0x18: {  	[tilespmem:s17], [sflag:$0x3] =	stream.linear.gather [hbm4b:s9+s3], $0x80, $0x38;
	[tilespmem:$0x1E900] =	vst v63  }
0x19: {  	[spmem:s19], [sflag:s18] =	dma.local [hbm:s0], $0x2800  }
0x1a: {  	s0 =	sand.u32 $0x3C00, s1;
	s1 =	simm.s32 $0x80;
	_ =	swait.ge [sflag:s14], $0x2800  }
0x1b: {  	s0 =	sadd.s32 s4, s0;
	s1 =	sand.u32 $0x380, s1;
	[sflag:s14] =	ssyncset.done $0x0  }
0x1c: {  	s0 =	sor.u32 s0, s1;
	[sflag:s14] =	ssyncadd.s32 $0xFFFFD800  }
0x1d: {  	s7 =	simm.s32 $0x14080;
	s0 =	sshrl.u32 s0, $0x3;
	[bflag:$0x0] =	sbarrier.arrive $0xFFFF  }
0x1e: {  	[tilespmem:s20], [sflag:$0x2] =	stream.indirect.gather [hbm4b:s5+s15], $0x80, s7, s15, $0xb8;
	[tilespmem:$0x1E900] =	vst v63  }
0x1f: {  	s0 =	sadd.s32 s6, s0  }
0x20: {  	[tilespmem:s21], [sflag:$0x4] =	stream.linear.gather [hbm4b:s0+s3], $0x80, $0x38;
	[tilespmem:$0x1E900] =	vst v63  }
0x21: {  	_ =	swait.ge [sflag:s22], $0x4000  }
0x22: {  	[sflag:s22] =	ssyncset.done $0x0  }
0x23: {  	[sflag:s22] =	ssyncadd.s32 $0xFFFFC000  }
0x24: {  	_ =	swait.ge [sflag:s23], $0x80  }
0x25: {  	s26 =	simm.s32 $0x100;
	[sflag:s23] =	ssyncset.done $0x0  }
0x26: {  	s7 =	sand.u32 $0x7C00, s26;
	[sflag:s23] =	ssyncadd.s32 $0xFFFFFF80  }
0x27: {  	[spmem:s2] =	stream.indirect.scatter.add.f32 [tilespmem:s16], [sflag:$0x5], $0x80, s17, s15, $0xb8;
	[tilespmem:$0x1E900] =	vst v63  }
0x28: {  	s1 =	sadd.s32 s4, s7;
	s0 =	sand.u32 $0x300, s26;
	_ =	swait.ge [sflag:s14], $0x4000  }
0x29: {  	s0 =	sor.u32 s0, s1;
	[sflag:s14] =	ssyncset.done $0x0  }
0x2a: {  	s26 =	simm.s32 $0x14100;
	s0 =	sshrl.u32 s0, $0x3;
	[sflag:s14] =	ssyncadd.s32 $0xFFFFC000  }
0x2b: {  	[tilespmem:s16], [sflag:$0x1] =	stream.indirect.gather [hbm4b:s5+s15], $0x80, s26, s15, $0xb8;
	[tilespmem:$0x1E900] =	vst v63  }
0x2c: {  	s0 =	sadd.s32 s6, s0  }
0x2d: {  	[tilespmem:s17], [sflag:$0x3] =	stream.linear.gather [hbm4b:s0+s3], $0x80, $0x38;
	[tilespmem:$0x1E900] =	vst v63  }
0x2e: {  	_ =	swait.ge [sflag:s24], $0x4000  }
0x2f: {  	s30 =	simm.s32 $0x200;
	s31 =	simm.s32 $0x300;
	[sflag:s24] =	ssyncset.done $0x0  }
0x30: {  	s29 =	simm.s32 $0x14180;
	s26 =	simm.s32 $0x100;
	[sflag:s24] =	ssyncadd.s32 $0xFFFFC000  }
0x31: {  	s0 =	sand.u32 $0x3C00, s26;
	s26 =	simm.s32 $0x180;
	_ =	swait.ge [sflag:s25], $0x80  }
.LBB2_2:
0x32: {  	s0 =	sadd.s32 s4, s0  }
0x33: {  	s26 =	sand.u32 $0x380, s26;
	[sflag:s25] =	ssyncset.done $0x0;
	s7 =	smov.u32 s31  }
0x34: {  	s1 =	sadd.s32 $0x100, s31;
	s0 =	sor.u32 s0, s26;
	[sflag:s25] =	ssyncadd.s32 $0xFFFFFF80  }
0x35: {  	[spmem:s2] =	stream.indirect.scatter.add.f32 [tilespmem:s20], [sflag:$0x5], $0x80, s21, s15, $0xb8;
	[tilespmem:$0x1E900] =	vst v63  }
0x36: {  	p0 =	sne.s32 s31, $0x2700;
	s0 =	sshrl.u32 s0, $0x3;
	_ =	swait.ge [sflag:s14], $0x4000  }
0x37: {  	[sflag:s14] =	ssyncset.done $0x0  }
0x38: {  	[sflag:s14] =	ssyncadd.s32 $0xFFFFC000  }
0x39: {  	[tilespmem:s20], [sflag:$0x2] =	stream.indirect.gather [hbm4b:s5+s15], $0x80, s29, s15, $0xb8;
	[tilespmem:$0x1E900] =	vst v63  }
0x3a: {  	s0 =	sadd.s32 s6, s0  }
0x3b: {  	[tilespmem:s21], [sflag:$0x4] =	stream.linear.gather [hbm4b:s0+s3], $0x80, $0x38;
	[tilespmem:$0x1E900] =	vst v63  }
0x3c: {  	_ =	swait.ge [sflag:s22], $0x4000  }
0x3d: {  	[sflag:s22] =	ssyncset.done $0x0  }
0x3e: {  	[sflag:s22] =	ssyncadd.s32 $0xFFFFC000  }
0x3f: {  	_ =	swait.ge [sflag:s23], $0x80  }
0x40: {  	[sflag:s23] =	ssyncset.done $0x0  }
0x41: {  	[sflag:s23] =	ssyncadd.s32 $0xFFFFFF80  }
0x42: {  	[spmem:s2] =	stream.indirect.scatter.add.f32 [tilespmem:s16], [sflag:$0x5], $0x80, s17, s15, $0xb8;
	[tilespmem:$0x1E900] =	vst v63  }
0x43: {  	s0 =	sand.u32 $0x7C00, s30;
	_ =	swait.ge [sflag:s14], $0x4000  }
0x44: {  	s26 =	sand.u32 $0x300, s30;
	s0 =	sadd.s32 s4, s0;
	[sflag:s14] =	ssyncset.done $0x0  }
0x45: {  	s30 =	sadd.s32 $0x80, s29;
	s0 =	sor.u32 s26, s0;
	[sflag:s14] =	ssyncadd.s32 $0xFFFFC000  }
0x46: {  	[tilespmem:s16], [sflag:$0x1] =	stream.indirect.gather [hbm4b:s5+s15], $0x80, s30, s15, $0xb8;
	[tilespmem:$0x1E900] =	vst v63  }
0x47: {  	s0 =	sshrl.u32 s0, $0x3;
	s30 =	smov.u32 s7  }
0x48: {  	s0 =	sadd.s32 s6, s0  }
0x49: {  	[tilespmem:s17], [sflag:$0x3] =	stream.linear.gather [hbm4b:s0+s3], $0x80, $0x38;
	[tilespmem:$0x1E900] =	vst v63  }
.Ltmp0:
0x4a: {  	_ = 	snop;
	(pc) =	sbr.rel @p0 .LBB2_2-.Ltmp0, $4  }
0x4b: {  	_ =	swait.ge [sflag:s24], $0x4000  }
0x4c: {  	s31 =	smov.u32 s1;
	[sflag:s24] =	ssyncset.done $0x0  }
0x4d: {  	s29 =	sadd.s32 $0x100, s29;
	s0 =	sadd.s32 $0xFFFFFF00, s30;
	[sflag:s24] =	ssyncadd.s32 $0xFFFFC000  }
0x4e: {  	s26 =	sadd.s32 $0xFFFFFF80, s30;
	s0 =	sand.u32 $0x3C00, s0;
	_ =	swait.ge [sflag:s25], $0x80  }
0x4f: {  	[sflag:s25] =	ssyncset.done $0x0  }
0x50: {  	[sflag:s25] =	ssyncadd.s32 $0xFFFFFF80  }
0x51: {  	[spmem:s2] =	stream.indirect.scatter.add.f32 [tilespmem:s20], [sflag:$0x5], $0x80, s21, s15, $0xb8;
	[tilespmem:$0x1E900] =	vst v63  }
0x52: {  	s0 =	sadd.s32 s4, s0;
	s1 =	sand.u32 $0x380, s26;
	_ =	swait.ge [sflag:s14], $0x4000  }
0x53: {  	s0 =	sor.u32 s0, s1;
	[sflag:s14] =	ssyncset.done $0x0  }
0x54: {  	s0 =	sshrl.u32 s0, $0x3;
	[sflag:s14] =	ssyncadd.s32 $0xFFFFC000  }
0x55: {  	[tilespmem:s20], [sflag:$0x2] =	stream.indirect.gather [hbm4b:s5+s15], $0x80, s29, s15, $0xb8;
	[tilespmem:$0x1E900] =	vst v63  }
0x56: {  	s0 =	sadd.s32 s6, s0  }
0x57: {  	[tilespmem:s21], [sflag:$0x4] =	stream.linear.gather [hbm4b:s0+s3], $0x80, $0x38;
	[tilespmem:$0x1E900] =	vst v63  }
0x58: {  	_ =	swait.ge [sflag:s22], $0x4000  }
0x59: {  	[sflag:s22] =	ssyncset.done $0x0  }
0x5a: {  	[sflag:s22] =	ssyncadd.s32 $0xFFFFC000  }
0x5b: {  	_ =	swait.ge [sflag:s23], $0x80  }
0x5c: {  	[sflag:s23] =	ssyncset.done $0x0  }
0x5d: {  	s26 =	sand.u32 $0x7C00, s30;
	[sflag:s23] =	ssyncadd.s32 $0xFFFFFF80  }
0x5e: {  	[spmem:s2] =	stream.indirect.scatter.add.f32 [tilespmem:s16], [sflag:$0x5], $0x80, s17, s15, $0xb8;
	[tilespmem:$0x1E900] =	vst v63  }
0x5f: {  	s30 =	sand.u32 $0x300, s30;
	s0 =	sadd.s32 s4, s26;
	_ =	swait.ge [sflag:s14], $0x4000  }
0x60: {  	s0 =	sor.u32 s30, s0;
	[sflag:s14] =	ssyncset.done $0x0  }
0x61: {  	s7 =	sadd.s32 $0x80, s29;
	s0 =	sshrl.u32 s0, $0x3;
	[sflag:s14] =	ssyncadd.s32 $0xFFFFC000  }
0x62: {  	[tilespmem:s16], [sflag:$0x1] =	stream.indirect.gather [hbm4b:s5+s15], $0x80, s7, s15, $0xb8;
	[tilespmem:$0x1E900] =	vst v63  }
0x63: {  	s0 =	sadd.s32 s6, s0  }
0x64: {  	[tilespmem:s17], [sflag:$0x3] =	stream.linear.gather [hbm4b:s0+s3], $0x80, $0x38;
	[tilespmem:$0x1E900] =	vst v63  }
0x65: {  	_ =	swait.ge [sflag:s24], $0x4000  }
0x66: {  	[sflag:s24] =	ssyncset.done $0x0  }
0x67: {  	[sflag:s24] =	ssyncadd.s32 $0xFFFFC000  }
0x68: {  	_ =	swait.ge [sflag:s25], $0x80  }
0x69: {  	[sflag:s25] =	ssyncset.done $0x0  }
0x6a: {  	[sflag:s25] =	ssyncadd.s32 $0xFFFFFF80  }
0x6b: {  	[spmem:s2] =	stream.indirect.scatter.add.f32 [tilespmem:s20], [sflag:$0x5], $0x80, s21, s15, $0xb8;
	[tilespmem:$0x1E900] =	vst v63  }
0x6c: {  	_ =	swait.ge [sflag:s14], $0x4000  }
0x6d: {  	[sflag:s14] =	ssyncset.done $0x0  }
0x6e: {  	s31 =	simm.s32 $0x16780;
	[sflag:s14] =	ssyncadd.s32 $0xFFFFC000  }
0x6f: {  	[tilespmem:s20], [sflag:$0x2] =	stream.indirect.gather [hbm4b:s5+s15], $0x80, s31, s15, $0xb8;
	[tilespmem:$0x1E900] =	vst v63  }
0x70: {  	_ = 	snop  }
0x71: {  	[tilespmem:s21], [sflag:$0x4] =	stream.linear.gather [hbm4b:s12+s3], $0x80, $0x38;
	[tilespmem:$0x1E900] =	vst v63  }
0x72: {  	_ =	swait.ge [sflag:s22], $0x4000  }
0x73: {  	[sflag:s22] =	ssyncset.done $0x0  }
0x74: {  	[sflag:s22] =	ssyncadd.s32 $0xFFFFC000  }
0x75: {  	_ =	swait.ge [sflag:s23], $0x80  }
0x76: {  	[sflag:s23] =	ssyncset.done $0x0  }
0x77: {  	[sflag:s23] =	ssyncadd.s32 $0xFFFFFF80  }
0x78: {  	[spmem:s2] =	stream.indirect.scatter.add.f32 [tilespmem:s16], [sflag:$0x5], $0x80, s17, s15, $0xb8;
	[tilespmem:$0x1E900] =	vst v63  }
0x79: {  	_ =	swait.ge [sflag:s14], $0x4000  }
0x7a: {  	[sflag:s14] =	ssyncset.done $0x0  }
0x7b: {  	[sflag:s14] =	ssyncadd.s32 $0xFFFFC000  }
0x7c: {  	_ =	swait.ge [sflag:s24], $0x4000  }
0x7d: {  	[sflag:s24] =	ssyncset.done $0x0  }
0x7e: {  	[sflag:s24] =	ssyncadd.s32 $0xFFFFC000  }
0x7f: {  	_ =	swait.ge [sflag:s25], $0x80  }
0x80: {  	[sflag:s25] =	ssyncset.done $0x0  }
0x81: {  	[sflag:s25] =	ssyncadd.s32 $0xFFFFFF80  }
0x82: {  	[spmem:s2] =	stream.indirect.scatter.add.f32 [tilespmem:s20], [sflag:$0x5], $0x80, s21, s15, $0xb8;
	[tilespmem:$0x1E900] =	vst v63  }
0x83: {  	_ =	swait.ge [sflag:s14], $0x4000  }
0x84: {  	s28 =	sadd.s32 $0x1, s28;
	[sflag:s14] =	ssyncset.done $0x0  }
0x85: {  	p0 =	sne.s32 s28, s11;
	[sflag:s14] =	ssyncadd.s32 $0xFFFFC000  }
.Ltmp1:
0x86: {  	[bflag:$0x0] =	sbarrier.arrive $0xFFFF;
	(pc) =	sbr.rel @p0 .LBB2_1-.Ltmp1, $4  }
0x87: {  	[hbm:s10], [sflag:s18] =	dma.local [spmem:s19], $0x2800  }
0x88: {  	_ =	swait.ge [sflag:s14], $0x2800  }
0x89: {  	[sflag:s14] =	ssyncset.done $0x0  }
0x8a: {  	[sflag:s14] =	ssyncadd.s32 $0xFFFFD800  }
0x8b: {  	_ =	sfence.sel $0x180000  }
0x8c: {  	[bflag:$0x0] =	sbarrier.arrive $0xFFFF  }
0x8d: {  	_ =	strace $0x90000047  }
0x8e: {  	s0 =	stileid.u32;
	[bflag:$0x2] =	sbarrier.arrive $0xFFFF  }
0x8f: {  	p0 =	sne.s32 s0, $0x0;
	s0 =	rddreg [dreg:$0x2]  }
0x90: {  	s0 =	sadd.s32 @!p0 $0x100000, s0  }
0x91: {  	[sflag:s0] =	ssyncadd.tile.s32 @!p0 $0x1;
	_ =	shalt  }
.Lfunc_end2:
_tile_overlayer_lowered:
.L_overlay_start_2:
0x92: {  	(tag) =	ssettag $0x2  }
0x93: {  	s0 =	rddreg [dreg:$0x0];
	s2 =	stileid.u32  }
0x94: {  	s1 =	rddreg [dreg:$0x1];
	p0 =	sne.s32 s2, $0x0  }
0x95: {  	s3 =	rddreg [dreg:$0x2];
	[bflag:$0x3] =	sbarrier.arrive $0xFFFF;
	s2 =	simm.s32 @!p0 $0x1C05  }
0x96: {  	[timem:s3], [sflag:s2] =	dma.local @!p0 [hbm:s0], s1  }
0x97: {  	s0 =	simm.s32 @!p0 $0x5  }
0x98: {  	_ =	swait.ge @!p0 [sflag:s0], s1  }
0x99: {  	s1 =	ssub.s32 @!p0 $0x0, s1;
	[sflag:s0] =	ssyncset.done @!p0 $0x0  }
0x9a: {  	[sflag:s0] =	ssyncadd.s32 @!p0 s1  }
0x9b: {  	[bflag:$0x3] =	sbarrier.arrive $0xFFFF  }
0x9c: {  	_ =	shalt  }

</sc_bundles>
